<compile_context>
chip_gen: v7x
topology: tpu7x:2x2x1
jax: 0.10.2.dev20260603
libtpu: 0.0.44.dev20260713+nightly
codegen_flags: <defaults>
</compile_context>

<pallas_src>
import numpy as np
import jax
import jax.numpy as jnp
from jax import lax
from jax.experimental import pallas as pl
from jax.experimental.pallas import tpu as pltpu
from jax.experimental.pallas import tpu_sc as plsc

F_CAM = float((640 / 2.0) / np.tan(np.deg2rad(79.0 / 2.0)))
COS90 = float(np.cos(np.pi / 2.0))
SIN90 = float(np.sin(np.pi / 2.0))
S239 = float(2.0 / 239.0)
INV_F = float(1.0 / F_CAM)
XF = float((1.0 / F_CAM) * 198.0)
PZC = float(0.2 * 87.0 / 88.0)
PZO = float(43.5 - 28.0 * 87.0 / 88.0)
F32 = jnp.float32
I32 = jnp.int32


def _floorparts(a):
    ti = a.astype(I32)
    fl = jnp.where(a < ti.astype(F32), ti - 1, ti)
    return fl, a - fl.astype(F32)


def _r16(x):
    u = plsc.bitcast(x, I32)
    rb = (u >> 16) & 1
    return plsc.bitcast((u + 32767 + rb) & (-65536), F32)


def _mask_f(m):
    return jnp.where(m, jnp.full((16,), 1.0, F32), jnp.full((16,), 0.0, F32))


def _sc_body(depth, params, maps, fp_out, mp_out,
             dbuf, planes, pv, slab, tmp, rotbuf, rotw, mapsbuf, sem,
             sh_all, sh_red, sh_rot):
    cid = lax.axis_index("c")
    sid = lax.axis_index("s")

    @pl.when(cid == 0)
    def _work():
        t = sid
        pltpu.sync_copy(params, pv)
        iota = lax.iota(I32, 16)
        ah = pv[pl.ds(0, 16)]
        ct = pv[pl.ds(16, 16)]
        sn = pv[pl.ds(32, 16)]
        tx = pv[pl.ds(48, 16)]
        ty = pv[pl.ds(64, 16)]
        zeros16 = jnp.full((16,), 0.0, F32)
        ct16 = _r16(ct)
        sn16 = _r16(sn)
        tx16 = _r16(tx)
        ty16 = _r16(ty)

        def _zero(i, c):
            planes[pl.ds(i * 16, 16)] = zeros16
            return c
        lax.fori_loop(0, 1280, _zero, 0)

        pltpu.sync_copy(depth.at[pl.ds(t * 19200, 19200)], dbuf)

        pzo = ah * PZC + PZO

        def _row_a(ri, c):
            r_img = t * 30 + ri
            pzf = (240.0 - r_img.astype(F32)) * (INV_F * 1000.0) * PZC
            roff = ri * 640

            def _vec_a(v, c2):
                c0 = v * 16
                draw = dbuf[pl.ds(roff + c0, 16)]
                xv = ((c0 + iota).astype(F32) - 320.0) * XF
                px = 49.5 - draw * 198.0
                py = xv * draw
                pz = draw * pzf + pzo
                ix, rx = _floorparts(px)
                iy, ry = _floorparts(py)
                iz, rz = _floorparts(pz)

                def _zin(z, lo, hi):
                    return _mask_f((z >= lo) & (z < hi))
                zall = (1.0 - rz) * _zin(iz, 0, 88) + rz * _zin(iz + 1, 0, 88)
                zag = (1.0 - rz) * _zin(iz, 21, 33) + rz * _zin(iz + 1, 21, 33)

                xok = ((ix >= 0) & (ix < 100), (ix >= -1) & (ix < 99))
                yok = ((iy >= 0) & (iy < 100), (iy >= -1) & (iy < 99))
                base = iy * 100 + ix
                for dx in (0, 1):
                    wx = rx if dx else 1.0 - rx
                    for dy in (0, 1):
                        wy = ry if dy else 1.0 - ry
                        m = xok[dx] & yok[dy]
                        idx = base + (dx + 100 * dy)
                        w = wx * wy
                        plsc.addupdate_scatter(planes, [idx], w * zag, mask=m)
                        plsc.addupdate_scatter(planes, [idx + 10000],
                                               w * zall, mask=m)
                return c2
            lax.fori_loop(0, 40, _vec_a, 0)
            return c
        lax.fori_loop(0, 30, _row_a, 0)

        pltpu.sync_copy(planes, sh_all.at[pl.ds(t * 20480, 20480)])
        plsc.subcore_barrier()
        off = t * 1280
        pltpu.sync_copy(sh_all.at[pl.ds(off, 1280)], slab)

        def _fire(k, c):
            pltpu.async_copy(sh_all.at[pl.ds(k * 20480 + off, 1280)],
                             tmp.at[pl.ds((k - 1) * 1280, 1280)], sem)
            return c
        lax.fori_loop(1, 16, _fire, 0)

        def _drain(k, c):
            pltpu.make_async_copy(
                sh_all.at[pl.ds(k * 20480 + off, 1280)],
                tmp.at[pl.ds((k - 1) * 1280, 1280)], sem).wait()
            return c
        lax.fori_loop(1, 16, _drain, 0)

        def _acc(k, c):
            toff = (k - 1) * 1280

            def _add(i, c2):
                s = pl.ds(i * 16, 16)
                slab[s] = slab[s] + tmp[pl.ds(toff + i * 16, 16)]
                return c2
            lax.fori_loop(0, 80, _add, 0)
            return c
        lax.fori_loop(1, 16, _acc, 0)
        pltpu.sync_copy(slab, sh_red.at[pl.ds(off, 1280)])
        plsc.subcore_barrier()
        pltpu.sync_copy(sh_red, planes)

        def _clip(i, c):
            s = pl.ds(i * 16, 16)
            planes[s] = jnp.minimum(jnp.maximum(planes[s], 0.0), 1.0)
            return c
        lax.fori_loop(0, 1280, _clip, 0)

        @pl.when(t == 0)
        def _fp():
            pltpu.sync_copy(planes.at[pl.ds(0, 10000)], fp_out)

        r0 = t * 15

        def _row_b(rl, c):
            r = r0 + rl
            gy16 = _r16(jnp.full((16,), -1.0, F32) + r.astype(F32) * S239)

            def _vec_b(v, c2):
                cc = v * 16 + iota
                gx16 = _r16(-1.0 + cc.astype(F32) * S239)
                x = (gx16 * ct16 - gy16 * sn16 + 1.0) * 119.5
                y = (gx16 * sn16 + gy16 * ct16 + 1.0) * 119.5
                x0, fxw = _floorparts(x)
                y0, fyw = _floorparts(y)
                xok = ((x0 >= 70) & (x0 <= 169), (x0 >= 69) & (x0 <= 168))
                yok = ((y0 >= 120) & (y0 <= 219), (y0 >= 119) & (y0 <= 218))
                xcl = (jnp.clip(x0 - 70, 0, 99), jnp.clip(x0 - 69, 0, 99))
                ycl = (jnp.clip(y0 - 120, 0, 99) * 100,
                       jnp.clip(y0 - 119, 0, 99) * 100)
                acc0 = zeros16
                acc1 = zeros16
                for a in (0, 1):
                    wxv = fxw if a else 1.0 - fxw
                    for b in (0, 1):
                        wyv = fyw if b else 1.0 - fyw
                        pi = ycl[b] + xcl[a]
                        w = wxv * wyv * _mask_f(xok[a] & yok[b])
                        acc0 = acc0 + w * plsc.load_gather(planes, [pi])
                        acc1 = acc1 + w * plsc.load_gather(planes,
                                                           [pi + 10000])
                rotbuf[pl.ds(rl * 240 + v * 16, 16)] = acc0
                rotbuf[pl.ds(3600 + rl * 240 + v * 16, 16)] = acc1
                return c2
            lax.fori_loop(0, 15, _vec_b, 0)
            return c
        lax.fori_loop(0, 15, _row_b, 0)
        pltpu.sync_copy(rotbuf.at[pl.ds(0, 3600)],
                        sh_rot.at[pl.ds(r0 * 240, 3600)])
        pltpu.sync_copy(rotbuf.at[pl.ds(3600, 3600)],
                        sh_rot.at[pl.ds(57600 + r0 * 240, 3600)])
        plsc.subcore_barrier()

        y0v = (ty16 + _r16(jnp.full((16,), 0.0, F32)
                           + (-1.0 + r0.astype(F32) * S239)) + 1.0) * 119.5
        ys0 = jnp.min(y0v)
        si = ys0.astype(I32)
        si = jnp.where(ys0 < si.astype(F32), si - 1, si)
        start_c = jnp.clip(si - 1, 0, 240 - 24)
        pltpu.sync_copy(sh_rot.at[pl.ds(start_c * 240, 5760)],
                        rotw.at[pl.ds(0, 5760)])
        pltpu.sync_copy(sh_rot.at[pl.ds(57600 + start_c * 240, 5760)],
                        rotw.at[pl.ds(5760, 5760)])

        def _row_c(rl, c):
            r = r0 + rl
            gy16 = _r16(jnp.full((16,), -1.0, F32) + r.astype(F32) * S239)
            yrow = (gy16 + ty16 + 1.0) * 119.5
            y0i, fyw = _floorparts(yrow)
            yok = ((y0i >= 0) & (y0i <= 239), (y0i >= -1) & (y0i <= 238))
            rcl = (jnp.clip(y0i - start_c, 0, 23) * 240,
                   jnp.clip(y0i + 1 - start_c, 0, 23) * 240)

            def _vec_c(v, c2):
                cc = v * 16 + iota
                gx16 = _r16(-1.0 + cc.astype(F32) * S239)
                x = (gx16 + tx16 + 1.0) * 119.5
                x0i, fxw = _floorparts(x)
                xok = ((x0i >= 0) & (x0i <= 239),
                       (x0i >= -1) & (x0i <= 238))
                xcl = (jnp.clip(x0i, 0, 239), jnp.clip(x0i + 1, 0, 239))
                acc0 = zeros16
                acc1 = zeros16
                for a in (0, 1):
                    wxv = fxw if a else 1.0 - fxw
                    for b in (0, 1):
                        wyv = fyw if b else 1.0 - fyw
                        w = wxv * wyv * _mask_f(xok[a] & yok[b])
                        gi = rcl[b] + xcl[a]
                        acc0 = acc0 + w * plsc.load_gather(rotw, [gi])
                        acc1 = acc1 + w * plsc.load_gather(rotw, [gi + 5760])
                rotbuf[pl.ds(rl * 240 + v * 16, 16)] = acc0
                rotbuf[pl.ds(3600 + rl * 240 + v * 16, 16)] = acc1
                return c2
            lax.fori_loop(0, 15, _vec_c, 0)
            return c
        lax.fori_loop(0, 15, _row_c, 0)

        for ch in (0, 1):
            pltpu.sync_copy(maps.at[pl.ds(ch * 57600 + r0 * 240, 3600)],
                            mapsbuf)
            coff = ch * 3600

            def _mx(i, c2, coff=coff):
                sr = pl.ds(coff + i * 16, 16)
                sm = pl.ds(i * 16, 16)
                rotbuf[sr] = jnp.maximum(rotbuf[sr], mapsbuf[sm])
                return c2
            lax.fori_loop(0, 225, _mx, 0)
            pltpu.sync_copy(rotbuf.at[pl.ds(coff, 3600)],
                            mp_out.at[pl.ds(ch * 57600 + r0 * 240, 3600)])

        for ch in (2, 3):
            pltpu.sync_copy(maps.at[pl.ds(ch * 57600 + r0 * 240, 3600)],
                            mapsbuf)
            pltpu.sync_copy(mapsbuf,
                            mp_out.at[pl.ds(ch * 57600 + r0 * 240, 3600)])


def _make_sc_call():
    mesh = plsc.VectorSubcoreMesh(core_axis_name="c", subcore_axis_name="s")
    return pl.kernel(
        _sc_body,
        mesh=mesh,
        compiler_params=pltpu.CompilerParams(needs_layout_passes=False),
        out_type=(
            jax.ShapeDtypeStruct((10000,), F32),
            jax.ShapeDtypeStruct((230400,), F32),
        ),
        scratch_types=[
            pltpu.VMEM((19200,), F32),
            pltpu.VMEM((20480,), F32),
            pltpu.VMEM((80,), F32),
            pltpu.VMEM((1280,), F32),
            pltpu.VMEM((19200,), F32),
            pltpu.VMEM((7200,), F32),
            pltpu.VMEM((11520,), F32),
            pltpu.VMEM((3600,), F32),
            pltpu.SemaphoreType.DMA,
            pltpu.VMEM_SHARED((327680,), F32),
            pltpu.VMEM_SHARED((20480,), F32),
            pltpu.VMEM_SHARED((115200,), F32),
        ],
    )


def kernel(obs, pose_obs, maps_last, poses_last, agent_heights):
    depth = obs[0, 3].reshape(-1)
    pose = poses_last[0]
    rel = pose_obs[0]
    o_rad = pose[2] * float(np.pi / 180.0)
    yp = pose[1] + rel[1] * jnp.sin(o_rad) + rel[0] * jnp.cos(o_rad)
    xp = pose[0] + rel[1] * jnp.cos(o_rad) - rel[0] * jnp.sin(o_rad)
    o = pose[2] + rel[2] * 57.29577951308232
    o = jnp.fmod(o - 180.0, 360.0) + 180.0
    o = jnp.fmod(o + 180.0, 360.0) - 180.0
    current_poses = jnp.stack([xp, yp, o])[None]
    st0 = -(yp * 100.0 / 5.0 - 120.0) / 120.0
    st1 = -(xp * 100.0 / 5.0 - 120.0) / 120.0
    st2 = 90.0 - o
    tr = st2 * float(np.pi / 180.0)
    ctv = jnp.cos(tr)
    snv = jnp.sin(tr)
    ah = 88.0 * agent_heights[0]
    params = (jnp.stack([ah, ctv, snv, st0, st1]).astype(F32)[:, None]
              * jnp.ones((1, 16), F32)).reshape(-1)
    fp_flat, mp = _sc_call(depth, params, maps_last.reshape(-1))
    fp_map_pred = fp_flat.reshape(1, 1, 100, 100)
    return fp_map_pred, mp.reshape(1, 4, 240, 240), poses_last, current_poses


_sc_call = _make_sc_call()

# --- scband reference (transcript-rebuilt; emitter-appended) ---
"""Pipeline reference for scband-semantic-mapping-71949292142944 (READ-ONLY COPY).

The authoritative reference and input builder live on the scoring server;
editing this copy changes nothing except your own understanding.
"""

import jax, jax.numpy as jnp
import numpy as np

SCREEN_H = 480
SCREEN_W = 640
FOV = 79.0
RESOLUTION = 5.0
Z_RESOLUTION = 5.0
MAP_SIZE_CM = 2400
GLOBAL_DOWNSCALING = 2
LOCAL_W = MAP_SIZE_CM // GLOBAL_DOWNSCALING // 5
LOCAL_H = LOCAL_W
VR = 100
MAX_H = int(360 / Z_RESOLUTION)
MIN_H = int(-80 / Z_RESOLUTION)
NZ = MAX_H - MIN_H
AGENT_HEIGHT_CM = 88.0
MAX_DEPTH = 10.0
MAP_PRED_THRESHOLD = 1.0
EXP_PRED_THRESHOLD = 1.0
F_CAM = (SCREEN_W / 2.0) / np.tan(np.deg2rad(FOV / 2.0))
CX = SCREEN_W / 2.0
CY = SCREEN_H / 2.0
SHIFT_LOC = (VR * RESOLUTION / 2.0, 0.0, np.pi / 2.0)


def get_point_cloud_from_z(depth_cm):
    B, H, W = depth_cm.shape
    xs = jnp.arange(W, dtype=jnp.float32)[None, None, :]
    ys = jnp.arange(H, dtype=jnp.float32)[None, :, None]
    X = (xs - CX) / F_CAM * depth_cm
    Y = (CY - ys) / F_CAM * depth_cm
    return jnp.stack([X, Y, depth_cm], axis=-1)


def transform_camera_view(xyz, agent_height_cm):
    X = xyz[..., 0]
    Yc = xyz[..., 1]
    Zc = xyz[..., 2]
    Yw = Zc
    Zw = Yc + agent_height_cm[:, None, None]
    return jnp.stack([X, Yw, Zw], axis=-1)


def transform_pose(xyz, pose):
    sx, sy, theta = pose
    X = xyz[..., 0]
    Y = xyz[..., 1]
    Z = xyz[..., 2]
    Xr = X * np.cos(theta) - Y * np.sin(theta) + sx
    Yr = X * np.sin(theta) + Y * np.cos(theta) + sy
    return jnp.stack([Xr, Yr, Z], axis=-1)


def splat_feat_nd(init_grid, feat, coords):
    B, Fc, GX, GY, GZ = init_grid.shape
    dims = jnp.array([GX, GY, GZ], dtype=jnp.float32)
    pos = (coords + 1.0) / 2.0 * (dims[None, None, :] - 1.0)
    pos_floor = jnp.floor(pos)
    rem = pos - pos_floor

    def splat_one(grid, f, pf, r):
        flat = grid.reshape(Fc, GX * GY * GZ)
        for dx in (0, 1):
            for dy in (0, 1):
                for dz in (0, 1):
                    ix = pf[:, 0] + dx
                    iy = pf[:, 1] + dy
                    iz = pf[:, 2] + dz
                    wx = r[:, 0] if dx else (1.0 - r[:, 0])
                    wy = r[:, 1] if dy else (1.0 - r[:, 1])
                    wz = r[:, 2] if dz else (1.0 - r[:, 2])
                    w = wx * wy * wz
                    mask = (ix >= 0) & (ix < GX) & (iy >= 0) & (iy < GY) & (iz >= 0) & (iz < GZ)
                    w = w * mask.astype(w.dtype)
                    ixi = jnp.clip(ix, 0, GX - 1).astype(jnp.int32)
                    iyi = jnp.clip(iy, 0, GY - 1).astype(jnp.int32)
                    izi = jnp.clip(iz, 0, GZ - 1).astype(jnp.int32)
                    lin = (ixi * GY + iyi) * GZ + izi
                    flat = flat.at[:, lin].add(f * w[None, :])
        return flat.reshape(Fc, GX, GY, GZ)

    return jax.vmap(splat_one)(init_grid, feat, pos_floor, rem)


def get_new_pose_batch(pose, rel_pose_change):
    o_rad = pose[:, 2] * np.pi / 180.0
    y = pose[:, 1] + rel_pose_change[:, 1] * jnp.sin(o_rad) + rel_pose_change[:, 0] * jnp.cos(o_rad)
    x = pose[:, 0] + rel_pose_change[:, 1] * jnp.cos(o_rad) - rel_pose_change[:, 0] * jnp.sin(o_rad)
    o = pose[:, 2] + rel_pose_change[:, 2] * 57.29577951308232
    o = jnp.fmod(o - 180.0, 360.0) + 180.0
    o = jnp.fmod(o + 180.0, 360.0) - 180.0
    return jnp.stack([x, y, o], axis=1)


def affine_grid(theta, H, W):
    xs = jnp.linspace(-1.0, 1.0, W)
    ys = jnp.linspace(-1.0, 1.0, H)
    gx, gy = jnp.meshgrid(xs, ys)
    base = jnp.stack([gx, gy, jnp.ones_like(gx)], axis=-1)
    return jnp.einsum('bij,hwj->bhwi', theta, base)


def grid_sample(im, grid):
    B, C, H, W = im.shape
    x = (grid[..., 0] + 1.0) * (W - 1) / 2.0
    y = (grid[..., 1] + 1.0) * (H - 1) / 2.0
    x0 = jnp.floor(x)
    y0 = jnp.floor(y)
    x1 = x0 + 1.0
    y1 = y0 + 1.0

    def samp(imb, xi, yi, wf):
        mask = (xi >= 0) & (xi <= W - 1) & (yi >= 0) & (yi <= H - 1)
        xic = jnp.clip(xi, 0, W - 1).astype(jnp.int32)
        yic = jnp.clip(yi, 0, H - 1).astype(jnp.int32)
        v = imb[:, yic, xic]
        return v * (mask.astype(imb.dtype) * wf)[None, :, :]

    out = jnp.zeros_like(im)
    for xa, ya, wf in ((x0, y0, (x1 - x) * (y1 - y)), (x1, y0, (x - x0) * (y1 - y)), (x0, y1, (x1 - x) * (y - y0)), (x1, y1, (x - x0) * (y - y0))):
        out = out + jax.vmap(samp)(im, xa, ya, wf)
    return out


def get_grid(st_pose, H, W):
    x = st_pose[:, 0]
    y = st_pose[:, 1]
    t = st_pose[:, 2] * np.pi / 180.0
    cos_t = jnp.cos(t)
    sin_t = jnp.sin(t)
    zeros = jnp.zeros_like(x)
    ones = jnp.ones_like(x)
    theta1 = jnp.stack([jnp.stack([cos_t, -sin_t, zeros], axis=1), jnp.stack([sin_t, cos_t, zeros], axis=1)], axis=1)
    theta2 = jnp.stack([jnp.stack([ones, zeros, x], axis=1), jnp.stack([zeros, ones, y], axis=1)], axis=1)
    return affine_grid(theta1, H, W), affine_grid(theta2, H, W)


def _forward(obs, pose_obs, maps_last, poses_last, agent_heights):
    bs = obs.shape[0]
    depth = obs[:, 3, :, :] * (MAX_DEPTH * 100.0)
    point_cloud = get_point_cloud_from_z(depth)
    agent_view = transform_camera_view(point_cloud, AGENT_HEIGHT_CM * agent_heights)
    agent_view_centered = transform_pose(agent_view, SHIFT_LOC)
    x_std = (agent_view_centered[..., 0] / RESOLUTION - VR // 2.0) / VR * 2.0
    y_std = (agent_view_centered[..., 1] / RESOLUTION - VR // 2.0) / VR * 2.0
    z_std = (agent_view_centered[..., 2] / Z_RESOLUTION - (MAX_H + MIN_H) // 2.0) / (MAX_H - MIN_H) * 2.0
    coords = jnp.stack([x_std, y_std, z_std], axis=-1).reshape(bs, -1, 3)
    feat = jnp.ones((bs, 1, coords.shape[1]), dtype=jnp.float32)
    init_grid = jnp.zeros((bs, 1, VR, VR, NZ), dtype=jnp.float32)
    voxels = jnp.swapaxes(splat_feat_nd(init_grid, feat, coords), 2, 3)
    min_z = int(25 / Z_RESOLUTION - MIN_H)
    max_z = int((AGENT_HEIGHT_CM + 1) / Z_RESOLUTION - MIN_H)
    agent_height_proj = voxels[..., min_z:max_z].sum(-1)
    all_height_proj = voxels.sum(-1)
    fp_map_pred = jnp.clip(agent_height_proj[:, 0:1] / MAP_PRED_THRESHOLD, 0.0, 1.0)
    fp_exp_pred = jnp.clip(all_height_proj[:, 0:1] / EXP_PRED_THRESHOLD, 0.0, 1.0)
    pose_pred = poses_last
    nC = maps_last.shape[1]
    agent_view_map = jnp.zeros((bs, nC, LOCAL_H, LOCAL_W), dtype=jnp.float32)
    x1 = LOCAL_W // 2 - VR // 2
    x2 = x1 + VR
    y1 = LOCAL_H // 2
    y2 = y1 + VR
    agent_view_map = agent_view_map.at[:, 0:1, y1:y2, x1:x2].set(fp_map_pred)
    agent_view_map = agent_view_map.at[:, 1:2, y1:y2, x1:x2].set(fp_exp_pred)
    current_poses = get_new_pose_batch(poses_last, pose_obs)
    st_pose = jnp.stack([
        -(current_poses[:, 1] * 100.0 / RESOLUTION - LOCAL_H // 2) / (LOCAL_H // 2),
        -(current_poses[:, 0] * 100.0 / RESOLUTION - LOCAL_W // 2) / (LOCAL_W // 2),
        90.0 - current_poses[:, 2]], axis=1)
    rot_grid, trans_grid = get_grid(st_pose, LOCAL_H, LOCAL_W)
    rotated = grid_sample(agent_view_map, rot_grid)
    translated = grid_sample(rotated, trans_grid)
    map_pred = jnp.max(jnp.stack([maps_last, translated], axis=1), axis=1)
    return fp_map_pred, map_pred, pose_pred, current_poses


def setup_inputs(seed: int = 0):
    key = jax.random.key(seed)
    k1, k2, k3, k4 = jax.random.split(key, 4)
    obs = jax.random.uniform(k1, (1, 4, 480, 640), dtype=jnp.float32)
    pose_obs = jax.random.normal(k2, (1, 3), dtype=jnp.float32) * 0.05
    maps_last = jax.random.uniform(k3, (1, 4, 240, 240), dtype=jnp.float32)
    poses_last = jnp.array([[5.0, 5.0, 0.0]], dtype=jnp.float32) + 2.0 * jax.random.uniform(k4, (1, 3), dtype=jnp.float32)
    agent_heights = jnp.ones((1,), dtype=jnp.float32)
    return {'obs': obs, 'pose_obs': pose_obs, 'maps_last': maps_last, 'poses_last': poses_last, 'agent_heights': agent_heights}


def reference(obs, pose_obs, maps_last, poses_last, agent_heights):
    return _forward(obs, pose_obs, maps_last, poses_last, agent_heights)

if __name__ == "__main__":
    import jax
    _d = setup_inputs()
    print(jax.jit(kernel)(*tuple(_d.values())))

</pallas_src>

<mosaic_0001>
#map = affine_map<(d0, d1) -> (0)>
module attributes {stable_mosaic.version = 14 : i64} {
  func.func @_sc_body(%arg0: i32, %arg1: i32, %arg2: memref<307200xf32, #tpu.memory_space<hbm>>, %arg3: memref<80xf32, #tpu.memory_space<hbm>>, %arg4: memref<230400xf32, #tpu.memory_space<hbm>>, %arg5: memref<10000xf32, #tpu.memory_space<hbm>>, %arg6: memref<230400xf32, #tpu.memory_space<hbm>>, %arg7: memref<19200xf32, #tpu.memory_space<vmem>>, %arg8: memref<20480xf32, #tpu.memory_space<vmem>>, %arg9: memref<80xf32, #tpu.memory_space<vmem>>, %arg10: memref<1280xf32, #tpu.memory_space<vmem>>, %arg11: memref<19200xf32, #tpu.memory_space<vmem>>, %arg12: memref<7200xf32, #tpu.memory_space<vmem>>, %arg13: memref<11520xf32, #tpu.memory_space<vmem>>, %arg14: memref<3600xf32, #tpu.memory_space<vmem>>, %arg15: memref<!tpu.dma_semaphore, #tpu.memory_space<semaphore_mem>>, %arg16: memref<327680xf32, #tpu.memory_space<vmem_shared>>, %arg17: memref<20480xf32, #tpu.memory_space<vmem_shared>>, %arg18: memref<115200xf32, #tpu.memory_space<vmem_shared>>) attributes {dimension_semantics = [#tpu.dimension_semantics<core_parallel>, #tpu.dimension_semantics<subcore_parallel>], iteration_bounds = array<i64: 2, 16>, scalar_prefetch = 0 : i64, scratch_operands = 12 : i64, tpu.core_type = #tpu.core_type<sc_vector_subcore>, window_params = [{transform_indices = #map}, {transform_indices = #map}, {transform_indices = #map}, {transform_indices = #map}, {transform_indices = #map}]} {
    %eq3A = arith.constant 0 : i32
    %eq3A_0 = arith.cmpi eq, %arg0, %eq3A : i32
    %convert_element_type3A = arith.extui %eq3A_0 : i1 to i32
    %cond3A = arith.constant 0 : i32
    %cond3A_1 = arith.cmpi ne, %convert_element_type3A, %cond3A : i32
    scf.if %cond3A_1 {
      "tpu.region"() ({
        %run_scoped3A = tpu.sem_alloc : memref<!tpu.dma_semaphore, #tpu.memory_space<semaphore_mem>>
        tpu.enqueue_dma source(%arg3 : memref<80xf32, #tpu.memory_space<hbm>>) target(%arg9 : memref<80xf32, #tpu.memory_space<vmem>>) target_semaphore(%run_scoped3A : memref<!tpu.dma_semaphore, #tpu.memory_space<semaphore_mem>>)
        tpu.wait_dma2 semaphore(%run_scoped3A : memref<!tpu.dma_semaphore, #tpu.memory_space<semaphore_mem>>) src(%arg3 : memref<80xf32, #tpu.memory_space<hbm>>) dst(%arg9 : memref<80xf32, #tpu.memory_space<vmem>>)
        tpu.yield
      }) : () -> ()
      %iota3A = tpu.iota {dimensions = array<i32: 0>} : vector<16xi32>
      %get3A = arith.constant 0 : index
      %get3A_2 = tpu.vector_load %arg9[%get3A] {strides = array<i32>} : memref<80xf32, #tpu.memory_space<vmem>>, vector<16xf32>,
      %get3A_3 = arith.constant 16 : index
      %get3A_4 = tpu.vector_load %arg9[%get3A_3] {strides = array<i32>} : memref<80xf32, #tpu.memory_space<vmem>>, vector<16xf32>,
      %get3A_5 = arith.constant 32 : index
      %get3A_6 = tpu.vector_load %arg9[%get3A_5] {strides = array<i32>} : memref<80xf32, #tpu.memory_space<vmem>>, vector<16xf32>,
      %get3A_7 = arith.constant 48 : index
      %get3A_8 = tpu.vector_load %arg9[%get3A_7] {strides = array<i32>} : memref<80xf32, #tpu.memory_space<vmem>>, vector<16xf32>,
      %get3A_9 = arith.constant 64 : index
      %get3A_10 = tpu.vector_load %arg9[%get3A_9] {strides = array<i32>} : memref<80xf32, #tpu.memory_space<vmem>>, vector<16xf32>,
      %broadcast_in_dim3A = arith.constant 0.000000e+00 : f32
      %broadcast_in_dim3A_11 = vector.broadcast %broadcast_in_dim3A : f32 to vector<16xf32>
      %bitcast3A = vector.bitcast %get3A_4 : vector<16xf32> to vector<16xi32>
      %shift_right_arithmetic3A = arith.constant 16 : i32
      %shift_right_arithmetic3A_12 = vector.broadcast %shift_right_arithmetic3A : i32 to vector<16xi32>
      %shift_right_arithmetic3A_13 = arith.shrsi %bitcast3A, %shift_right_arithmetic3A_12 : vector<16xi32>
      %and3A = arith.constant 1 : i32
      %and3A_14 = vector.broadcast %and3A : i32 to vector<16xi32>
      %and3A_15 = arith.andi %shift_right_arithmetic3A_13, %and3A_14 : vector<16xi32>
      %add3A = arith.constant 32767 : i32
      %add3A_16 = vector.broadcast %add3A : i32 to vector<16xi32>
      %add3A_17 = arith.addi %bitcast3A, %add3A_16 : vector<16xi32>
      %add3A_18 = arith.addi %add3A_17, %and3A_15 : vector<16xi32>
      %and3A_19 = arith.constant -65536 : i32
      %and3A_20 = vector.broadcast %and3A_19 : i32 to vector<16xi32>
      %and3A_21 = arith.andi %add3A_18, %and3A_20 : vector<16xi32>
      %bitcast3A_22 = vector.bitcast %and3A_21 : vector<16xi32> to vector<16xf32>
      %bitcast3A_23 = vector.bitcast %get3A_6 : vector<16xf32> to vector<16xi32>
      %shift_right_arithmetic3A_24 = arith.constant 16 : i32
      %shift_right_arithmetic3A_25 = vector.broadcast %shift_right_arithmetic3A_24 : i32 to vector<16xi32>
      %shift_right_arithmetic3A_26 = arith.shrsi %bitcast3A_23, %shift_right_arithmetic3A_25 : vector<16xi32>
      %and3A_27 = arith.constant 1 : i32
      %and3A_28 = vector.broadcast %and3A_27 : i32 to vector<16xi32>
      %and3A_29 = arith.andi %shift_right_arithmetic3A_26, %and3A_28 : vector<16xi32>
      %add3A_30 = arith.constant 32767 : i32
      %add3A_31 = vector.broadcast %add3A_30 : i32 to vector<16xi32>
      %add3A_32 = arith.addi %bitcast3A_23, %add3A_31 : vector<16xi32>
      %add3A_33 = arith.addi %add3A_32, %and3A_29 : vector<16xi32>
      %and3A_34 = arith.constant -65536 : i32
      %and3A_35 = vector.broadcast %and3A_34 : i32 to vector<16xi32>
      %and3A_36 = arith.andi %add3A_33, %and3A_35 : vector<16xi32>
      %bitcast3A_37 = vector.bitcast %and3A_36 : vector<16xi32> to vector<16xf32>
      %bitcast3A_38 = vector.bitcast %get3A_8 : vector<16xf32> to vector<16xi32>
      %shift_right_arithmetic3A_39 = arith.constant 16 : i32
      %shift_right_arithmetic3A_40 = vector.broadcast %shift_right_arithmetic3A_39 : i32 to vector<16xi32>
      %shift_right_arithmetic3A_41 = arith.shrsi %bitcast3A_38, %shift_right_arithmetic3A_40 : vector<16xi32>
      %and3A_42 = arith.constant 1 : i32
      %and3A_43 = vector.broadcast %and3A_42 : i32 to vector<16xi32>
      %and3A_44 = arith.andi %shift_right_arithmetic3A_41, %and3A_43 : vector<16xi32>
      %add3A_45 = arith.constant 32767 : i32
      %add3A_46 = vector.broadcast %add3A_45 : i32 to vector<16xi32>
      %add3A_47 = arith.addi %bitcast3A_38, %add3A_46 : vector<16xi32>
      %add3A_48 = arith.addi %add3A_47, %and3A_44 : vector<16xi32>
      %and3A_49 = arith.constant -65536 : i32
      %and3A_50 = vector.broadcast %and3A_49 : i32 to vector<16xi32>
      %and3A_51 = arith.andi %add3A_48, %and3A_50 : vector<16xi32>
      %bitcast3A_52 = vector.bitcast %and3A_51 : vector<16xi32> to vector<16xf32>
      %bitcast3A_53 = vector.bitcast %get3A_10 : vector<16xf32> to vector<16xi32>
      %shift_right_arithmetic3A_54 = arith.constant 16 : i32
      %shift_right_arithmetic3A_55 = vector.broadcast %shift_right_arithmetic3A_54 : i32 to vector<16xi32>
      %shift_right_arithmetic3A_56 = arith.shrsi %bitcast3A_53, %shift_right_arithmetic3A_55 : vector<16xi32>
      %and3A_57 = arith.constant 1 : i32
      %and3A_58 = vector.broadcast %and3A_57 : i32 to vector<16xi32>
      %and3A_59 = arith.andi %shift_right_arithmetic3A_56, %and3A_58 : vector<16xi32>
      %add3A_60 = arith.constant 32767 : i32
      %add3A_61 = vector.broadcast %add3A_60 : i32 to vector<16xi32>
      %add3A_62 = arith.addi %bitcast3A_53, %add3A_61 : vector<16xi32>
      %add3A_63 = arith.addi %add3A_62, %and3A_59 : vector<16xi32>
      %and3A_64 = arith.constant -65536 : i32
      %and3A_65 = vector.broadcast %and3A_64 : i32 to vector<16xi32>
      %and3A_66 = arith.andi %add3A_63, %and3A_65 : vector<16xi32>
      %bitcast3A_67 = vector.bitcast %and3A_66 : vector<16xi32> to vector<16xf32>
      %scan3A = arith.constant 0 : i32
      %scan3A_68 = arith.constant 0 : i32
      %scan3A_69 = arith.constant 1280 : i32
      %scan3A_70 = arith.addi %scan3A_68, %scan3A_69 : i32
      %scan3A_71 = arith.constant 1 : i32
      scf.for %scan3A_231 = %scan3A_68 to %scan3A_70 step %scan3A_71  : i32 {
        %mul3A_232 = arith.constant 16 : i32
        %mul3A_233 = arith.muli %scan3A_231, %mul3A_232 : i32
        %swap3A = arith.index_cast %mul3A_233 : i32 to index
        %swap3A_234 = tpu.vector_load %arg8[%swap3A] {strides = array<i32>} : memref<20480xf32, #tpu.memory_space<vmem>>, vector<16xf32>,
        tpu.vector_store %arg8[%swap3A], %broadcast_in_dim3A_11 {strides = array<i32>} : memref<20480xf32, #tpu.memory_space<vmem>>, vector<16xf32>,
      }
      %scan3A_72 = arith.constant 1280 : i32
      %mul3A = arith.constant 19200 : i32
      %mul3A_73 = arith.muli %arg1, %mul3A : i32
      "tpu.region"() ({
        %run_scoped3A = tpu.sem_alloc : memref<!tpu.dma_semaphore, #tpu.memory_space<semaphore_mem>>
        %dma_start3A = tpu.memref_slice %arg2[%mul3A_73] : memref<307200xf32, #tpu.memory_space<hbm>> -> memref<19200xf32, #tpu.memory_space<hbm>>
        %dma_start3A_231 = tpu.memref_slice %arg2[%mul3A_73] : memref<307200xf32, #tpu.memory_space<hbm>> -> memref<19200xf32, #tpu.memory_space<hbm>>
        tpu.enqueue_dma source(%dma_start3A_231 : memref<19200xf32, #tpu.memory_space<hbm>>) target(%arg7 : memref<19200xf32, #tpu.memory_space<vmem>>) target_semaphore(%run_scoped3A : memref<!tpu.dma_semaphore, #tpu.memory_space<semaphore_mem>>)
        %dma_wait3A = tpu.memref_slice %arg2[%mul3A_73] : memref<307200xf32, #tpu.memory_space<hbm>> -> memref<19200xf32, #tpu.memory_space<hbm>>
        %dma_wait3A_232 = tpu.memref_slice %arg2[%mul3A_73] : memref<307200xf32, #tpu.memory_space<hbm>> -> memref<19200xf32, #tpu.memory_space<hbm>>
        tpu.wait_dma2 semaphore(%run_scoped3A : memref<!tpu.dma_semaphore, #tpu.memory_space<semaphore_mem>>) src(%dma_wait3A_232 : memref<19200xf32, #tpu.memory_space<hbm>>) dst(%arg7 : memref<19200xf32, #tpu.memory_space<vmem>>)
        tpu.yield
      }) : () -> ()
      %mul3A_74 = arith.constant 0.197727278 : f32
      %mul3A_75 = vector.broadcast %mul3A_74 : f32 to vector<16xf32>
      %mul3A_76 = arith.mulf %get3A_2, %mul3A_75 : vector<16xf32>
      %add3A_77 = arith.constant 15.818182 : f32
      %add3A_78 = vector.broadcast %add3A_77 : f32 to vector<16xf32>
      %add3A_79 = arith.addf %mul3A_76, %add3A_78 : vector<16xf32>
      %scan3A_80 = arith.constant 0 : i32
      %scan3A_81 = arith.constant 0 : i32
      %scan3A_82 = arith.constant 30 : i32
      %scan3A_83 = arith.addi %scan3A_81, %scan3A_82 : i32
      %scan3A_84 = arith.constant 1 : i32
      scf.for %scan3A_231 = %scan3A_81 to %scan3A_83 step %scan3A_84  : i32 {
        %mul3A_232 = arith.constant 30 : i32
        %mul3A_233 = arith.muli %arg1, %mul3A_232 : i32
        %add3A_234 = arith.addi %mul3A_233, %scan3A_231 : i32
        %convert_element_type3A_235 = arith.sitofp %add3A_234 : i32 to f32
        %sub3A_236 = arith.constant 2.400000e+02 : f32
        %sub3A_237 = arith.subf %sub3A_236, %convert_element_type3A_235 : f32
        %mul3A_238 = arith.constant 2.57605124 : f32
        %mul3A_239 = arith.mulf %sub3A_237, %mul3A_238 : f32
        %mul3A_240 = arith.constant 0.197727278 : f32
        %mul3A_241 = arith.mulf %mul3A_239, %mul3A_240 : f32
        %mul3A_242 = arith.constant 640 : i32
        %mul3A_243 = arith.muli %scan3A_231, %mul3A_242 : i32
        %scan3A_244 = arith.constant 0 : i32
        %scan3A_245 = arith.constant 0 : i32
        %scan3A_246 = arith.constant 40 : i32
        %scan3A_247 = arith.addi %scan3A_245, %scan3A_246 : i32
        %scan3A_248 = arith.constant 1 : i32
        scf.for %scan3A_250 = %scan3A_245 to %scan3A_247 step %scan3A_248  : i32 {
          %mul3A_251 = arith.constant 16 : i32
          %mul3A_252 = arith.muli %scan3A_250, %mul3A_251 : i32
          %add3A_253 = arith.addi %mul3A_243, %mul3A_252 : i32
          %get3A_254 = arith.index_cast %add3A_253 : i32 to index
          %get3A_255 = tpu.vector_load %arg7[%get3A_254] {strides = array<i32>} : memref<19200xf32, #tpu.memory_space<vmem>>, vector<16xf32>,
          %add3A_256 = vector.broadcast %mul3A_252 : i32 to vector<16xi32>
          %add3A_257 = arith.addi %add3A_256, %iota3A : vector<16xi32>
          %convert_element_type3A_258 = arith.sitofp %add3A_257 : vector<16xi32> to vector<16xf32>
          %sub3A_259 = arith.constant 3.200000e+02 : f32
          %sub3A_260 = vector.broadcast %sub3A_259 : f32 to vector<16xf32>
          %sub3A_261 = arith.subf %convert_element_type3A_258, %sub3A_260 : vector<16xf32>
          %mul3A_262 = arith.constant 0.510058165 : f32
          %mul3A_263 = vector.broadcast %mul3A_262 : f32 to vector<16xf32>
          %mul3A_264 = arith.mulf %sub3A_261, %mul3A_263 : vector<16xf32>
          %mul3A_265 = arith.constant 1.980000e+02 : f32
          %mul3A_266 = vector.broadcast %mul3A_265 : f32 to vector<16xf32>
          %mul3A_267 = arith.mulf %get3A_255, %mul3A_266 : vector<16xf32>
          %sub3A_268 = arith.constant 4.950000e+01 : f32
          %sub3A_269 = vector.broadcast %sub3A_268 : f32 to vector<16xf32>
          %sub3A_270 = arith.subf %sub3A_269, %mul3A_267 : vector<16xf32>
          %mul3A_271 = arith.mulf %mul3A_264, %get3A_255 : vector<16xf32>
          %mul3A_272 = vector.broadcast %mul3A_241 : f32 to vector<16xf32>
          %mul3A_273 = arith.mulf %get3A_255, %mul3A_272 : vector<16xf32>
          %add3A_274 = arith.addf %mul3A_273, %add3A_79 : vector<16xf32>
          %convert_element_type3A_275 = arith.fptosi %sub3A_270 : vector<16xf32> to vector<16xi32>
          %convert_element_type3A_276 = arith.sitofp %convert_element_type3A_275 : vector<16xi32> to vector<16xf32>
          %lt3A_277 = arith.cmpf olt, %sub3A_270, %convert_element_type3A_276 : vector<16xf32>
          %sub3A_278 = arith.constant 1 : i32
          %sub3A_279 = vector.broadcast %sub3A_278 : i32 to vector<16xi32>
          %sub3A_280 = arith.subi %convert_element_type3A_275, %sub3A_279 : vector<16xi32>
          %select_n3A_281 = arith.select %lt3A_277, %sub3A_280, %convert_element_type3A_275 : vector<16xi1>, vector<16xi32>
          %convert_element_type3A_282 = arith.sitofp %select_n3A_281 : vector<16xi32> to vector<16xf32>
          %sub3A_283 = arith.subf %sub3A_270, %convert_element_type3A_282 : vector<16xf32>
          %convert_element_type3A_284 = arith.fptosi %mul3A_271 : vector<16xf32> to vector<16xi32>
          %convert_element_type3A_285 = arith.sitofp %convert_element_type3A_284 : vector<16xi32> to vector<16xf32>
          %lt3A_286 = arith.cmpf olt, %mul3A_271, %convert_element_type3A_285 : vector<16xf32>
          %sub3A_287 = arith.constant 1 : i32
          %sub3A_288 = vector.broadcast %sub3A_287 : i32 to vector<16xi32>
          %sub3A_289 = arith.subi %convert_element_type3A_284, %sub3A_288 : vector<16xi32>
          %select_n3A_290 = arith.select %lt3A_286, %sub3A_289, %convert_element_type3A_284 : vector<16xi1>, vector<16xi32>
          %convert_element_type3A_291 = arith.sitofp %select_n3A_290 : vector<16xi32> to vector<16xf32>
          %sub3A_292 = arith.subf %mul3A_271, %convert_element_type3A_291 : vector<16xf32>
          %convert_element_type3A_293 = arith.fptosi %add3A_274 : vector<16xf32> to vector<16xi32>
          %convert_element_type3A_294 = arith.sitofp %convert_element_type3A_293 : vector<16xi32> to vector<16xf32>
          %lt3A_295 = arith.cmpf olt, %add3A_274, %convert_element_type3A_294 : vector<16xf32>
          %sub3A_296 = arith.constant 1 : i32
          %sub3A_297 = vector.broadcast %sub3A_296 : i32 to vector<16xi32>
          %sub3A_298 = arith.subi %convert_element_type3A_293, %sub3A_297 : vector<16xi32>
          %select_n3A_299 = arith.select %lt3A_295, %sub3A_298, %convert_element_type3A_293 : vector<16xi1>, vector<16xi32>
          %convert_element_type3A_300 = arith.sitofp %select_n3A_299 : vector<16xi32> to vector<16xf32>
          %sub3A_301 = arith.subf %add3A_274, %convert_element_type3A_300 : vector<16xf32>
          %sub3A_302 = arith.constant 1.000000e+00 : f32
          %sub3A_303 = vector.broadcast %sub3A_302 : f32 to vector<16xf32>
          %sub3A_304 = arith.subf %sub3A_303, %sub3A_301 : vector<16xf32>
          %ge3A = arith.constant 0 : i32
          %ge3A_305 = vector.broadcast %ge3A : i32 to vector<16xi32>
          %ge3A_306 = arith.cmpi sge, %select_n3A_299, %ge3A_305 : vector<16xi32>
          %lt3A_307 = arith.constant 88 : i32
          %lt3A_308 = vector.broadcast %lt3A_307 : i32 to vector<16xi32>
          %lt3A_309 = arith.cmpi slt, %select_n3A_299, %lt3A_308 : vector<16xi32>
          %and3A_310 = arith.andi %ge3A_306, %lt3A_309 : vector<16xi1>
          %broadcast_in_dim3A_311 = arith.constant 1.000000e+00 : f32
          %broadcast_in_dim3A_312 = vector.broadcast %broadcast_in_dim3A_311 : f32 to vector<16xf32>
          %broadcast_in_dim3A_313 = arith.constant 0.000000e+00 : f32
          %broadcast_in_dim3A_314 = vector.broadcast %broadcast_in_dim3A_313 : f32 to vector<16xf32>
          %select_n3A_315 = arith.select %and3A_310, %broadcast_in_dim3A_312, %broadcast_in_dim3A_314 : vector<16xi1>, vector<16xf32>
          %mul3A_316 = arith.mulf %sub3A_304, %select_n3A_315 : vector<16xf32>
          %add3A_317 = arith.constant 1 : i32
          %add3A_318 = vector.broadcast %add3A_317 : i32 to vector<16xi32>
          %add3A_319 = arith.addi %select_n3A_299, %add3A_318 : vector<16xi32>
          %ge3A_320 = arith.constant 0 : i32
          %ge3A_321 = vector.broadcast %ge3A_320 : i32 to vector<16xi32>
          %ge3A_322 = arith.cmpi sge, %add3A_319, %ge3A_321 : vector<16xi32>
          %lt3A_323 = arith.constant 88 : i32
          %lt3A_324 = vector.broadcast %lt3A_323 : i32 to vector<16xi32>
          %lt3A_325 = arith.cmpi slt, %add3A_319, %lt3A_324 : vector<16xi32>
          %and3A_326 = arith.andi %ge3A_322, %lt3A_325 : vector<16xi1>
          %broadcast_in_dim3A_327 = arith.constant 1.000000e+00 : f32
          %broadcast_in_dim3A_328 = vector.broadcast %broadcast_in_dim3A_327 : f32 to vector<16xf32>
          %broadcast_in_dim3A_329 = arith.constant 0.000000e+00 : f32
          %broadcast_in_dim3A_330 = vector.broadcast %broadcast_in_dim3A_329 : f32 to vector<16xf32>
          %select_n3A_331 = arith.select %and3A_326, %broadcast_in_dim3A_328, %broadcast_in_dim3A_330 : vector<16xi1>, vector<16xf32>
          %mul3A_332 = arith.mulf %sub3A_301, %select_n3A_331 : vector<16xf32>
          %add3A_333 = arith.addf %mul3A_316, %mul3A_332 : vector<16xf32>
          %sub3A_334 = arith.constant 1.000000e+00 : f32
          %sub3A_335 = vector.broadcast %sub3A_334 : f32 to vector<16xf32>
          %sub3A_336 = arith.subf %sub3A_335, %sub3A_301 : vector<16xf32>
          %ge3A_337 = arith.constant 21 : i32
          %ge3A_338 = vector.broadcast %ge3A_337 : i32 to vector<16xi32>
          %ge3A_339 = arith.cmpi sge, %select_n3A_299, %ge3A_338 : vector<16xi32>
          %lt3A_340 = arith.constant 33 : i32
          %lt3A_341 = vector.broadcast %lt3A_340 : i32 to vector<16xi32>
          %lt3A_342 = arith.cmpi slt, %select_n3A_299, %lt3A_341 : vector<16xi32>
          %and3A_343 = arith.andi %ge3A_339, %lt3A_342 : vector<16xi1>
          %broadcast_in_dim3A_344 = arith.constant 1.000000e+00 : f32
          %broadcast_in_dim3A_345 = vector.broadcast %broadcast_in_dim3A_344 : f32 to vector<16xf32>
          %broadcast_in_dim3A_346 = arith.constant 0.000000e+00 : f32
          %broadcast_in_dim3A_347 = vector.broadcast %broadcast_in_dim3A_346 : f32 to vector<16xf32>
          %select_n3A_348 = arith.select %and3A_343, %broadcast_in_dim3A_345, %broadcast_in_dim3A_347 : vector<16xi1>, vector<16xf32>
          %mul3A_349 = arith.mulf %sub3A_336, %select_n3A_348 : vector<16xf32>
          %add3A_350 = arith.constant 1 : i32
          %add3A_351 = vector.broadcast %add3A_350 : i32 to vector<16xi32>
          %add3A_352 = arith.addi %select_n3A_299, %add3A_351 : vector<16xi32>
          %ge3A_353 = arith.constant 21 : i32
          %ge3A_354 = vector.broadcast %ge3A_353 : i32 to vector<16xi32>
          %ge3A_355 = arith.cmpi sge, %add3A_352, %ge3A_354 : vector<16xi32>
          %lt3A_356 = arith.constant 33 : i32
          %lt3A_357 = vector.broadcast %lt3A_356 : i32 to vector<16xi32>
          %lt3A_358 = arith.cmpi slt, %add3A_352, %lt3A_357 : vector<16xi32>
          %and3A_359 = arith.andi %ge3A_355, %lt3A_358 : vector<16xi1>
          %broadcast_in_dim3A_360 = arith.constant 1.000000e+00 : f32
          %broadcast_in_dim3A_361 = vector.broadcast %broadcast_in_dim3A_360 : f32 to vector<16xf32>
          %broadcast_in_dim3A_362 = arith.constant 0.000000e+00 : f32
          %broadcast_in_dim3A_363 = vector.broadcast %broadcast_in_dim3A_362 : f32 to vector<16xf32>
          %select_n3A_364 = arith.select %and3A_359, %broadcast_in_dim3A_361, %broadcast_in_dim3A_363 : vector<16xi1>, vector<16xf32>
          %mul3A_365 = arith.mulf %sub3A_301, %select_n3A_364 : vector<16xf32>
          %add3A_366 = arith.addf %mul3A_349, %mul3A_365 : vector<16xf32>
          %ge3A_367 = arith.constant 0 : i32
          %ge3A_368 = vector.broadcast %ge3A_367 : i32 to vector<16xi32>
          %ge3A_369 = arith.cmpi sge, %select_n3A_281, %ge3A_368 : vector<16xi32>
          %lt3A_370 = arith.constant 100 : i32
          %lt3A_371 = vector.broadcast %lt3A_370 : i32 to vector<16xi32>
          %lt3A_372 = arith.cmpi slt, %select_n3A_281, %lt3A_371 : vector<16xi32>
          %and3A_373 = arith.andi %ge3A_369, %lt3A_372 : vector<16xi1>
          %ge3A_374 = arith.constant -1 : i32
          %ge3A_375 = vector.broadcast %ge3A_374 : i32 to vector<16xi32>
          %ge3A_376 = arith.cmpi sge, %select_n3A_281, %ge3A_375 : vector<16xi32>
          %lt3A_377 = arith.constant 99 : i32
          %lt3A_378 = vector.broadcast %lt3A_377 : i32 to vector<16xi32>
          %lt3A_379 = arith.cmpi slt, %select_n3A_281, %lt3A_378 : vector<16xi32>
          %and3A_380 = arith.andi %ge3A_376, %lt3A_379 : vector<16xi1>
          %ge3A_381 = arith.constant 0 : i32
          %ge3A_382 = vector.broadcast %ge3A_381 : i32 to vector<16xi32>
          %ge3A_383 = arith.cmpi sge, %select_n3A_290, %ge3A_382 : vector<16xi32>
          %lt3A_384 = arith.constant 100 : i32
          %lt3A_385 = vector.broadcast %lt3A_384 : i32 to vector<16xi32>
          %lt3A_386 = arith.cmpi slt, %select_n3A_290, %lt3A_385 : vector<16xi32>
          %and3A_387 = arith.andi %ge3A_383, %lt3A_386 : vector<16xi1>
          %ge3A_388 = arith.constant -1 : i32
          %ge3A_389 = vector.broadcast %ge3A_388 : i32 to vector<16xi32>
          %ge3A_390 = arith.cmpi sge, %select_n3A_290, %ge3A_389 : vector<16xi32>
          %lt3A_391 = arith.constant 99 : i32
          %lt3A_392 = vector.broadcast %lt3A_391 : i32 to vector<16xi32>
          %lt3A_393 = arith.cmpi slt, %select_n3A_290, %lt3A_392 : vector<16xi32>
          %and3A_394 = arith.andi %ge3A_390, %lt3A_393 : vector<16xi1>
          %mul3A_395 = arith.constant 100 : i32
          %mul3A_396 = vector.broadcast %mul3A_395 : i32 to vector<16xi32>
          %mul3A_397 = arith.muli %select_n3A_290, %mul3A_396 : vector<16xi32>
          %add3A_398 = arith.addi %mul3A_397, %select_n3A_281 : vector<16xi32>
          %sub3A_399 = arith.constant 1.000000e+00 : f32
          %sub3A_400 = vector.broadcast %sub3A_399 : f32 to vector<16xf32>
          %sub3A_401 = arith.subf %sub3A_400, %sub3A_283 : vector<16xf32>
          %sub3A_402 = arith.constant 1.000000e+00 : f32
          %sub3A_403 = vector.broadcast %sub3A_402 : f32 to vector<16xf32>
          %sub3A_404 = arith.subf %sub3A_403, %sub3A_292 : vector<16xf32>
          %and3A_405 = arith.andi %and3A_373, %and3A_387 : vector<16xi1>
          %add3A_406 = arith.constant 0 : i32
          %add3A_407 = vector.broadcast %add3A_406 : i32 to vector<16xi32>
          %add3A_408 = arith.addi %add3A_398, %add3A_407 : vector<16xi32>
          %mul3A_409 = arith.mulf %sub3A_401, %sub3A_404 : vector<16xf32>
          %mul3A_410 = arith.mulf %mul3A_409, %add3A_366 : vector<16xf32>
          tpu.vector_store_idx %arg8[%add3A_408], %mul3A_410 masked %and3A_405 {add = true} : memref<20480xf32, #tpu.memory_space<vmem>>[vector<16xi32>], vector<16xf32>, vector<16xi1>
          %add3A_411 = arith.constant 10000 : i32
          %add3A_412 = vector.broadcast %add3A_411 : i32 to vector<16xi32>
          %add3A_413 = arith.addi %add3A_408, %add3A_412 : vector<16xi32>
          %mul3A_414 = arith.mulf %mul3A_409, %add3A_333 : vector<16xf32>
          tpu.vector_store_idx %arg8[%add3A_413], %mul3A_414 masked %and3A_405 {add = true} : memref<20480xf32, #tpu.memory_space<vmem>>[vector<16xi32>], vector<16xf32>, vector<16xi1>
          %and3A_415 = arith.andi %and3A_373, %and3A_394 : vector<16xi1>
          %add3A_416 = arith.constant 100 : i32
          %add3A_417 = vector.broadcast %add3A_416 : i32 to vector<16xi32>
          %add3A_418 = arith.addi %add3A_398, %add3A_417 : vector<16xi32>
          %mul3A_419 = arith.mulf %sub3A_401, %sub3A_292 : vector<16xf32>
          %mul3A_420 = arith.mulf %mul3A_419, %add3A_366 : vector<16xf32>
          tpu.vector_store_idx %arg8[%add3A_418], %mul3A_420 masked %and3A_415 {add = true} : memref<20480xf32, #tpu.memory_space<vmem>>[vector<16xi32>], vector<16xf32>, vector<16xi1>
          %add3A_421 = arith.constant 10000 : i32
          %add3A_422 = vector.broadcast %add3A_421 : i32 to vector<16xi32>
          %add3A_423 = arith.addi %add3A_418, %add3A_422 : vector<16xi32>
          %mul3A_424 = arith.mulf %mul3A_419, %add3A_333 : vector<16xf32>
          tpu.vector_store_idx %arg8[%add3A_423], %mul3A_424 masked %and3A_415 {add = true} : memref<20480xf32, #tpu.memory_space<vmem>>[vector<16xi32>], vector<16xf32>, vector<16xi1>
          %sub3A_425 = arith.constant 1.000000e+00 : f32
          %sub3A_426 = vector.broadcast %sub3A_425 : f32 to vector<16xf32>
          %sub3A_427 = arith.subf %sub3A_426, %sub3A_292 : vector<16xf32>
          %and3A_428 = arith.andi %and3A_380, %and3A_387 : vector<16xi1>
          %add3A_429 = arith.constant 1 : i32
          %add3A_430 = vector.broadcast %add3A_429 : i32 to vector<16xi32>
          %add3A_431 = arith.addi %add3A_398, %add3A_430 : vector<16xi32>
          %mul3A_432 = arith.mulf %sub3A_283, %sub3A_427 : vector<16xf32>
          %mul3A_433 = arith.mulf %mul3A_432, %add3A_366 : vector<16xf32>
          tpu.vector_store_idx %arg8[%add3A_431], %mul3A_433 masked %and3A_428 {add = true} : memref<20480xf32, #tpu.memory_space<vmem>>[vector<16xi32>], vector<16xf32>, vector<16xi1>
          %add3A_434 = arith.constant 10000 : i32
          %add3A_435 = vector.broadcast %add3A_434 : i32 to vector<16xi32>
          %add3A_436 = arith.addi %add3A_431, %add3A_435 : vector<16xi32>
          %mul3A_437 = arith.mulf %mul3A_432, %add3A_333 : vector<16xf32>
          tpu.vector_store_idx %arg8[%add3A_436], %mul3A_437 masked %and3A_428 {add = true} : memref<20480xf32, #tpu.memory_space<vmem>>[vector<16xi32>], vector<16xf32>, vector<16xi1>
          %and3A_438 = arith.andi %and3A_380, %and3A_394 : vector<16xi1>
          %add3A_439 = arith.constant 101 : i32
          %add3A_440 = vector.broadcast %add3A_439 : i32 to vector<16xi32>
          %add3A_441 = arith.addi %add3A_398, %add3A_440 : vector<16xi32>
          %mul3A_442 = arith.mulf %sub3A_283, %sub3A_292 : vector<16xf32>
          %mul3A_443 = arith.mulf %mul3A_442, %add3A_366 : vector<16xf32>
          tpu.vector_store_idx %arg8[%add3A_441], %mul3A_443 masked %and3A_438 {add = true} : memref<20480xf32, #tpu.memory_space<vmem>>[vector<16xi32>], vector<16xf32>, vector<16xi1>
          %add3A_444 = arith.constant 10000 : i32
          %add3A_445 = vector.broadcast %add3A_444 : i32 to vector<16xi32>
          %add3A_446 = arith.addi %add3A_441, %add3A_445 : vector<16xi32>
          %mul3A_447 = arith.mulf %mul3A_442, %add3A_333 : vector<16xf32>
          tpu.vector_store_idx %arg8[%add3A_446], %mul3A_447 masked %and3A_438 {add = true} : memref<20480xf32, #tpu.memory_space<vmem>>[vector<16xi32>], vector<16xf32>, vector<16xi1>
        }
        %scan3A_249 = arith.constant 40 : i32
      }
      %scan3A_85 = arith.constant 30 : i32
      %mul3A_86 = arith.constant 20480 : i32
      %mul3A_87 = arith.muli %arg1, %mul3A_86 : i32
      "tpu.region"() ({
        %run_scoped3A = tpu.sem_alloc : memref<!tpu.dma_semaphore, #tpu.memory_space<semaphore_mem>>
        %dma_start3A = tpu.memref_slice %arg16[%mul3A_87] : memref<327680xf32, #tpu.memory_space<vmem_shared>> -> memref<20480xf32, #tpu.memory_space<vmem_shared>>
        %dma_start3A_231 = tpu.memref_slice %arg16[%mul3A_87] : memref<327680xf32, #tpu.memory_space<vmem_shared>> -> memref<20480xf32, #tpu.memory_space<vmem_shared>>
        tpu.enqueue_dma source(%arg8 : memref<20480xf32, #tpu.memory_space<vmem>>) target(%dma_start3A_231 : memref<20480xf32, #tpu.memory_space<vmem_shared>>) target_semaphore(%run_scoped3A : memref<!tpu.dma_semaphore, #tpu.memory_space<semaphore_mem>>)
        %dma_wait3A = tpu.memref_slice %arg16[%mul3A_87] : memref<327680xf32, #tpu.memory_space<vmem_shared>> -> memref<20480xf32, #tpu.memory_space<vmem_shared>>
        %dma_wait3A_232 = tpu.memref_slice %arg16[%mul3A_87] : memref<327680xf32, #tpu.memory_space<vmem_shared>> -> memref<20480xf32, #tpu.memory_space<vmem_shared>>
        tpu.wait_dma2 semaphore(%run_scoped3A : memref<!tpu.dma_semaphore, #tpu.memory_space<semaphore_mem>>) src(%arg8 : memref<20480xf32, #tpu.memory_space<vmem>>) dst(%dma_wait3A_232 : memref<20480xf32, #tpu.memory_space<vmem_shared>>)
        tpu.yield
      }) : () -> ()
      %barrier3A = arith.constant 0 : index
      tpu.barrier barrier_id(%barrier3A)
      %mul3A_88 = arith.constant 1280 : i32
      %mul3A_89 = arith.muli %arg1, %mul3A_88 : i32
      "tpu.region"() ({
        %run_scoped3A = tpu.sem_alloc : memref<!tpu.dma_semaphore, #tpu.memory_space<semaphore_mem>>
        %dma_start3A = tpu.memref_slice %arg16[%mul3A_89] : memref<327680xf32, #tpu.memory_space<vmem_shared>> -> memref<1280xf32, #tpu.memory_space<vmem_shared>>
        %dma_start3A_231 = tpu.memref_slice %arg16[%mul3A_89] : memref<327680xf32, #tpu.memory_space<vmem_shared>> -> memref<1280xf32, #tpu.memory_space<vmem_shared>>
        tpu.enqueue_dma source(%dma_start3A_231 : memref<1280xf32, #tpu.memory_space<vmem_shared>>) target(%arg10 : memref<1280xf32, #tpu.memory_space<vmem>>) target_semaphore(%run_scoped3A : memref<!tpu.dma_semaphore, #tpu.memory_space<semaphore_mem>>)
        %dma_wait3A = tpu.memref_slice %arg16[%mul3A_89] : memref<327680xf32, #tpu.memory_space<vmem_shared>> -> memref<1280xf32, #tpu.memory_space<vmem_shared>>
        %dma_wait3A_232 = tpu.memref_slice %arg16[%mul3A_89] : memref<327680xf32, #tpu.memory_space<vmem_shared>> -> memref<1280xf32, #tpu.memory_space<vmem_shared>>
        tpu.wait_dma2 semaphore(%run_scoped3A : memref<!tpu.dma_semaphore, #tpu.memory_space<semaphore_mem>>) src(%dma_wait3A_232 : memref<1280xf32, #tpu.memory_space<vmem_shared>>) dst(%arg10 : memref<1280xf32, #tpu.memory_space<vmem>>)
        tpu.yield
      }) : () -> ()
      %scan3A_90 = arith.constant 0 : i32
      %scan3A_91 = arith.constant 1 : i32
      %scan3A_92 = arith.constant 15 : i32
      %scan3A_93 = arith.addi %scan3A_91, %scan3A_92 : i32
      %scan3A_94 = arith.constant 1 : i32
      scf.for %scan3A_231 = %scan3A_91 to %scan3A_93 step %scan3A_94  : i32 {
        %mul3A_232 = arith.constant 20480 : i32
        %mul3A_233 = arith.muli %scan3A_231, %mul3A_232 : i32
        %add3A_234 = arith.addi %mul3A_233, %mul3A_89 : i32
        %sub3A_235 = arith.constant 1 : i32
        %sub3A_236 = arith.subi %scan3A_231, %sub3A_235 : i32
        %mul3A_237 = arith.constant 1280 : i32
        %mul3A_238 = arith.muli %sub3A_236, %mul3A_237 : i32
        %dma_start3A = tpu.memref_slice %arg11[%mul3A_238] : memref<19200xf32, #tpu.memory_space<vmem>> -> memref<1280xf32, #tpu.memory_space<vmem>>
        %dma_start3A_239 = tpu.memref_slice %arg16[%add3A_234] : memref<327680xf32, #tpu.memory_space<vmem_shared>> -> memref<1280xf32, #tpu.memory_space<vmem_shared>>
        %dma_start3A_240 = tpu.memref_slice %arg11[%mul3A_238] : memref<19200xf32, #tpu.memory_space<vmem>> -> memref<1280xf32, #tpu.memory_space<vmem>>
        %dma_start3A_241 = tpu.memref_slice %arg16[%add3A_234] : memref<327680xf32, #tpu.memory_space<vmem_shared>> -> memref<1280xf32, #tpu.memory_space<vmem_shared>>
        tpu.enqueue_dma source(%dma_start3A_241 : memref<1280xf32, #tpu.memory_space<vmem_shared>>) target(%dma_start3A_240 : memref<1280xf32, #tpu.memory_space<vmem>>) target_semaphore(%arg15 : memref<!tpu.dma_semaphore, #tpu.memory_space<semaphore_mem>>)
      }
      %scan3A_95 = arith.constant 15 : i32
      %scan3A_96 = arith.constant 0 : i32
      %scan3A_97 = arith.constant 1 : i32
      %scan3A_98 = arith.constant 15 : i32
      %scan3A_99 = arith.addi %scan3A_97, %scan3A_98 : i32
      %scan3A_100 = arith.constant 1 : i32
      scf.for %scan3A_231 = %scan3A_97 to %scan3A_99 step %scan3A_100  : i32 {
        %mul3A_232 = arith.constant 20480 : i32
        %mul3A_233 = arith.muli %scan3A_231, %mul3A_232 : i32
        %add3A_234 = arith.addi %mul3A_233, %mul3A_89 : i32
        %sub3A_235 = arith.constant 1 : i32
        %sub3A_236 = arith.subi %scan3A_231, %sub3A_235 : i32
        %mul3A_237 = arith.constant 1280 : i32
        %mul3A_238 = arith.muli %sub3A_236, %mul3A_237 : i32
        %dma_wait3A = tpu.memref_slice %arg11[%mul3A_238] : memref<19200xf32, #tpu.memory_space<vmem>> -> memref<1280xf32, #tpu.memory_space<vmem>>
        %dma_wait3A_239 = tpu.memref_slice %arg16[%add3A_234] : memref<327680xf32, #tpu.memory_space<vmem_shared>> -> memref<1280xf32, #tpu.memory_space<vmem_shared>>
        %dma_wait3A_240 = tpu.memref_slice %arg11[%mul3A_238] : memref<19200xf32, #tpu.memory_space<vmem>> -> memref<1280xf32, #tpu.memory_space<vmem>>
        %dma_wait3A_241 = tpu.memref_slice %arg16[%add3A_234] : memref<327680xf32, #tpu.memory_space<vmem_shared>> -> memref<1280xf32, #tpu.memory_space<vmem_shared>>
        tpu.wait_dma2 semaphore(%arg15 : memref<!tpu.dma_semaphore, #tpu.memory_space<semaphore_mem>>) src(%dma_wait3A_241 : memref<1280xf32, #tpu.memory_space<vmem_shared>>) dst(%dma_wait3A_240 : memref<1280xf32, #tpu.memory_space<vmem>>)
      }
      %scan3A_101 = arith.constant 15 : i32
      %scan3A_102 = arith.constant 0 : i32
      %scan3A_103 = arith.constant 1 : i32
      %scan3A_104 = arith.constant 15 : i32
      %scan3A_105 = arith.addi %scan3A_103, %scan3A_104 : i32
      %scan3A_106 = arith.constant 1 : i32
      scf.for %scan3A_231 = %scan3A_103 to %scan3A_105 step %scan3A_106  : i32 {
        %sub3A_232 = arith.constant 1 : i32
        %sub3A_233 = arith.subi %scan3A_231, %sub3A_232 : i32
        %mul3A_234 = arith.constant 1280 : i32
        %mul3A_235 = arith.muli %sub3A_233, %mul3A_234 : i32
        %scan3A_236 = arith.constant 0 : i32
        %scan3A_237 = arith.constant 0 : i32
        %scan3A_238 = arith.constant 80 : i32
        %scan3A_239 = arith.addi %scan3A_237, %scan3A_238 : i32
        %scan3A_240 = arith.constant 1 : i32
        scf.for %scan3A_242 = %scan3A_237 to %scan3A_239 step %scan3A_240  : i32 {
          %mul3A_243 = arith.constant 16 : i32
          %mul3A_244 = arith.muli %scan3A_242, %mul3A_243 : i32
          %get3A_245 = arith.index_cast %mul3A_244 : i32 to index
          %get3A_246 = tpu.vector_load %arg10[%get3A_245] {strides = array<i32>} : memref<1280xf32, #tpu.memory_space<vmem>>, vector<16xf32>,
          %mul3A_247 = arith.constant 16 : i32
          %mul3A_248 = arith.muli %scan3A_242, %mul3A_247 : i32
          %add3A_249 = arith.addi %mul3A_235, %mul3A_248 : i32
          %get3A_250 = arith.index_cast %add3A_249 : i32 to index
          %get3A_251 = tpu.vector_load %arg11[%get3A_250] {strides = array<i32>} : memref<19200xf32, #tpu.memory_space<vmem>>, vector<16xf32>,
          %add3A_252 = arith.addf %get3A_246, %get3A_251 : vector<16xf32>
          %swap3A = arith.index_cast %mul3A_244 : i32 to index
          %swap3A_253 = tpu.vector_load %arg10[%swap3A] {strides = array<i32>} : memref<1280xf32, #tpu.memory_space<vmem>>, vector<16xf32>,
          tpu.vector_store %arg10[%swap3A], %add3A_252 {strides = array<i32>} : memref<1280xf32, #tpu.memory_space<vmem>>, vector<16xf32>,
        }
        %scan3A_241 = arith.constant 80 : i32
      }
      %scan3A_107 = arith.constant 15 : i32
      "tpu.region"() ({
        %run_scoped3A = tpu.sem_alloc : memref<!tpu.dma_semaphore, #tpu.memory_space<semaphore_mem>>
        %dma_start3A = tpu.memref_slice %arg17[%mul3A_89] : memref<20480xf32, #tpu.memory_space<vmem_shared>> -> memref<1280xf32, #tpu.memory_space<vmem_shared>>
        %dma_start3A_231 = tpu.memref_slice %arg17[%mul3A_89] : memref<20480xf32, #tpu.memory_space<vmem_shared>> -> memref<1280xf32, #tpu.memory_space<vmem_shared>>
        tpu.enqueue_dma source(%arg10 : memref<1280xf32, #tpu.memory_space<vmem>>) target(%dma_start3A_231 : memref<1280xf32, #tpu.memory_space<vmem_shared>>) target_semaphore(%run_scoped3A : memref<!tpu.dma_semaphore, #tpu.memory_space<semaphore_mem>>)
        %dma_wait3A = tpu.memref_slice %arg17[%mul3A_89] : memref<20480xf32, #tpu.memory_space<vmem_shared>> -> memref<1280xf32, #tpu.memory_space<vmem_shared>>
        %dma_wait3A_232 = tpu.memref_slice %arg17[%mul3A_89] : memref<20480xf32, #tpu.memory_space<vmem_shared>> -> memref<1280xf32, #tpu.memory_space<vmem_shared>>
        tpu.wait_dma2 semaphore(%run_scoped3A : memref<!tpu.dma_semaphore, #tpu.memory_space<semaphore_mem>>) src(%arg10 : memref<1280xf32, #tpu.memory_space<vmem>>) dst(%dma_wait3A_232 : memref<1280xf32, #tpu.memory_space<vmem_shared>>)
        tpu.yield
      }) : () -> ()
      %barrier3A_108 = arith.constant 0 : index
      tpu.barrier barrier_id(%barrier3A_108)
      "tpu.region"() ({
        %run_scoped3A = tpu.sem_alloc : memref<!tpu.dma_semaphore, #tpu.memory_space<semaphore_mem>>
        tpu.enqueue_dma source(%arg17 : memref<20480xf32, #tpu.memory_space<vmem_shared>>) target(%arg8 : memref<20480xf32, #tpu.memory_space<vmem>>) target_semaphore(%run_scoped3A : memref<!tpu.dma_semaphore, #tpu.memory_space<semaphore_mem>>)
        tpu.wait_dma2 semaphore(%run_scoped3A : memref<!tpu.dma_semaphore, #tpu.memory_space<semaphore_mem>>) src(%arg17 : memref<20480xf32, #tpu.memory_space<vmem_shared>>) dst(%arg8 : memref<20480xf32, #tpu.memory_space<vmem>>)
        tpu.yield
      }) : () -> ()
      %scan3A_109 = arith.constant 0 : i32
      %scan3A_110 = arith.constant 0 : i32
      %scan3A_111 = arith.constant 1280 : i32
      %scan3A_112 = arith.addi %scan3A_110, %scan3A_111 : i32
      %scan3A_113 = arith.constant 1 : i32
      scf.for %scan3A_231 = %scan3A_110 to %scan3A_112 step %scan3A_113  : i32 {
        %mul3A_232 = arith.constant 16 : i32
        %mul3A_233 = arith.muli %scan3A_231, %mul3A_232 : i32
        %get3A_234 = arith.index_cast %mul3A_233 : i32 to index
        %get3A_235 = tpu.vector_load %arg8[%get3A_234] {strides = array<i32>} : memref<20480xf32, #tpu.memory_space<vmem>>, vector<16xf32>,
        %max3A_236 = arith.constant 0.000000e+00 : f32
        %max3A_237 = vector.broadcast %max3A_236 : f32 to vector<16xf32>
        %max3A_238 = arith.maximumf %get3A_235, %max3A_237 : vector<16xf32>
        %min3A_239 = arith.constant 1.000000e+00 : f32
        %min3A_240 = vector.broadcast %min3A_239 : f32 to vector<16xf32>
        %min3A_241 = arith.minimumf %max3A_238, %min3A_240 : vector<16xf32>
        %swap3A = arith.index_cast %mul3A_233 : i32 to index
        %swap3A_242 = tpu.vector_load %arg8[%swap3A] {strides = array<i32>} : memref<20480xf32, #tpu.memory_space<vmem>>, vector<16xf32>,
        tpu.vector_store %arg8[%swap3A], %min3A_241 {strides = array<i32>} : memref<20480xf32, #tpu.memory_space<vmem>>, vector<16xf32>,
      }
      %scan3A_114 = arith.constant 1280 : i32
      %eq3A_115 = arith.constant 0 : i32
      %eq3A_116 = arith.cmpi eq, %arg1, %eq3A_115 : i32
      %convert_element_type3A_117 = arith.extui %eq3A_116 : i1 to i32
      %cond3A_118 = arith.constant 0 : i32
      %cond3A_119 = arith.cmpi ne, %convert_element_type3A_117, %cond3A_118 : i32
      scf.if %cond3A_119 {
        "tpu.region"() ({
          %run_scoped3A = tpu.sem_alloc : memref<!tpu.dma_semaphore, #tpu.memory_space<semaphore_mem>>
          %dma_start3A = arith.constant 0 : i32
          %dma_start3A_231 = tpu.memref_slice %arg8[%dma_start3A] : memref<20480xf32, #tpu.memory_space<vmem>> -> memref<10000xf32, #tpu.memory_space<vmem>>
          %dma_start3A_232 = arith.constant 0 : i32
          %dma_start3A_233 = tpu.memref_slice %arg8[%dma_start3A_232] : memref<20480xf32, #tpu.memory_space<vmem>> -> memref<10000xf32, #tpu.memory_space<vmem>>
          tpu.enqueue_dma source(%dma_start3A_233 : memref<10000xf32, #tpu.memory_space<vmem>>) target(%arg5 : memref<10000xf32, #tpu.memory_space<hbm>>) target_semaphore(%run_scoped3A : memref<!tpu.dma_semaphore, #tpu.memory_space<semaphore_mem>>)
          %dma_wait3A = arith.constant 0 : i32
          %dma_wait3A_234 = tpu.memref_slice %arg8[%dma_wait3A] : memref<20480xf32, #tpu.memory_space<vmem>> -> memref<10000xf32, #tpu.memory_space<vmem>>
          %dma_wait3A_235 = arith.constant 0 : i32
          %dma_wait3A_236 = tpu.memref_slice %arg8[%dma_wait3A_235] : memref<20480xf32, #tpu.memory_space<vmem>> -> memref<10000xf32, #tpu.memory_space<vmem>>
          tpu.wait_dma2 semaphore(%run_scoped3A : memref<!tpu.dma_semaphore, #tpu.memory_space<semaphore_mem>>) src(%dma_wait3A_236 : memref<10000xf32, #tpu.memory_space<vmem>>) dst(%arg5 : memref<10000xf32, #tpu.memory_space<hbm>>)
          tpu.yield
        }) : () -> ()
      } else {
      }
      %mul3A_120 = arith.constant 15 : i32
      %mul3A_121 = arith.muli %arg1, %mul3A_120 : i32
      %scan3A_122 = arith.constant 0 : i32
      %scan3A_123 = arith.constant 0 : i32
      %scan3A_124 = arith.constant 15 : i32
      %scan3A_125 = arith.addi %scan3A_123, %scan3A_124 : i32
      %scan3A_126 = arith.constant 1 : i32
      scf.for %scan3A_231 = %scan3A_123 to %scan3A_125 step %scan3A_126  : i32 {
        %add3A_232 = arith.addi %mul3A_121, %scan3A_231 : i32
        %broadcast_in_dim3A_233 = arith.constant -1.000000e+00 : f32
        %broadcast_in_dim3A_234 = vector.broadcast %broadcast_in_dim3A_233 : f32 to vector<16xf32>
        %convert_element_type3A_235 = arith.sitofp %add3A_232 : i32 to f32
        %mul3A_236 = arith.constant 0.00836820062 : f32
        %mul3A_237 = arith.mulf %convert_element_type3A_235, %mul3A_236 : f32
        %add3A_238 = vector.broadcast %mul3A_237 : f32 to vector<16xf32>
        %add3A_239 = arith.addf %broadcast_in_dim3A_234, %add3A_238 : vector<16xf32>
        %bitcast3A_240 = vector.bitcast %add3A_239 : vector<16xf32> to vector<16xi32>
        %shift_right_arithmetic3A_241 = arith.constant 16 : i32
        %shift_right_arithmetic3A_242 = vector.broadcast %shift_right_arithmetic3A_241 : i32 to vector<16xi32>
        %shift_right_arithmetic3A_243 = arith.shrsi %bitcast3A_240, %shift_right_arithmetic3A_242 : vector<16xi32>
        %and3A_244 = arith.constant 1 : i32
        %and3A_245 = vector.broadcast %and3A_244 : i32 to vector<16xi32>
        %and3A_246 = arith.andi %shift_right_arithmetic3A_243, %and3A_245 : vector<16xi32>
        %add3A_247 = arith.constant 32767 : i32
        %add3A_248 = vector.broadcast %add3A_247 : i32 to vector<16xi32>
        %add3A_249 = arith.addi %bitcast3A_240, %add3A_248 : vector<16xi32>
        %add3A_250 = arith.addi %add3A_249, %and3A_246 : vector<16xi32>
        %and3A_251 = arith.constant -65536 : i32
        %and3A_252 = vector.broadcast %and3A_251 : i32 to vector<16xi32>
        %and3A_253 = arith.andi %add3A_250, %and3A_252 : vector<16xi32>
        %bitcast3A_254 = vector.bitcast %and3A_253 : vector<16xi32> to vector<16xf32>
        %scan3A_255 = arith.constant 0 : i32
        %scan3A_256 = arith.constant 0 : i32
        %scan3A_257 = arith.constant 15 : i32
        %scan3A_258 = arith.addi %scan3A_256, %scan3A_257 : i32
        %scan3A_259 = arith.constant 1 : i32
        scf.for %scan3A_261 = %scan3A_256 to %scan3A_258 step %scan3A_259  : i32 {
          %mul3A_262 = arith.constant 16 : i32
          %mul3A_263 = arith.muli %scan3A_261, %mul3A_262 : i32
          %add3A_264 = vector.broadcast %mul3A_263 : i32 to vector<16xi32>
          %add3A_265 = arith.addi %add3A_264, %iota3A : vector<16xi32>
          %convert_element_type3A_266 = arith.sitofp %add3A_265 : vector<16xi32> to vector<16xf32>
          %mul3A_267 = arith.constant 0.00836820062 : f32
          %mul3A_268 = vector.broadcast %mul3A_267 : f32 to vector<16xf32>
          %mul3A_269 = arith.mulf %convert_element_type3A_266, %mul3A_268 : vector<16xf32>
          %add3A_270 = arith.constant -1.000000e+00 : f32
          %add3A_271 = vector.broadcast %add3A_270 : f32 to vector<16xf32>
          %add3A_272 = arith.addf %add3A_271, %mul3A_269 : vector<16xf32>
          %bitcast3A_273 = vector.bitcast %add3A_272 : vector<16xf32> to vector<16xi32>
          %shift_right_arithmetic3A_274 = arith.constant 16 : i32
          %shift_right_arithmetic3A_275 = vector.broadcast %shift_right_arithmetic3A_274 : i32 to vector<16xi32>
          %shift_right_arithmetic3A_276 = arith.shrsi %bitcast3A_273, %shift_right_arithmetic3A_275 : vector<16xi32>
          %and3A_277 = arith.constant 1 : i32
          %and3A_278 = vector.broadcast %and3A_277 : i32 to vector<16xi32>
          %and3A_279 = arith.andi %shift_right_arithmetic3A_276, %and3A_278 : vector<16xi32>
          %add3A_280 = arith.constant 32767 : i32
          %add3A_281 = vector.broadcast %add3A_280 : i32 to vector<16xi32>
          %add3A_282 = arith.addi %bitcast3A_273, %add3A_281 : vector<16xi32>
          %add3A_283 = arith.addi %add3A_282, %and3A_279 : vector<16xi32>
          %and3A_284 = arith.constant -65536 : i32
          %and3A_285 = vector.broadcast %and3A_284 : i32 to vector<16xi32>
          %and3A_286 = arith.andi %add3A_283, %and3A_285 : vector<16xi32>
          %bitcast3A_287 = vector.bitcast %and3A_286 : vector<16xi32> to vector<16xf32>
          %mul3A_288 = arith.mulf %bitcast3A_287, %bitcast3A_22 : vector<16xf32>
          %mul3A_289 = arith.mulf %bitcast3A_254, %bitcast3A_37 : vector<16xf32>
          %sub3A_290 = arith.subf %mul3A_288, %mul3A_289 : vector<16xf32>
          %add3A_291 = arith.constant 1.000000e+00 : f32
          %add3A_292 = vector.broadcast %add3A_291 : f32 to vector<16xf32>
          %add3A_293 = arith.addf %sub3A_290, %add3A_292 : vector<16xf32>
          %mul3A_294 = arith.constant 1.195000e+02 : f32
          %mul3A_295 = vector.broadcast %mul3A_294 : f32 to vector<16xf32>
          %mul3A_296 = arith.mulf %add3A_293, %mul3A_295 : vector<16xf32>
          %mul3A_297 = arith.mulf %bitcast3A_287, %bitcast3A_37 : vector<16xf32>
          %mul3A_298 = arith.mulf %bitcast3A_254, %bitcast3A_22 : vector<16xf32>
          %add3A_299 = arith.addf %mul3A_297, %mul3A_298 : vector<16xf32>
          %add3A_300 = arith.constant 1.000000e+00 : f32
          %add3A_301 = vector.broadcast %add3A_300 : f32 to vector<16xf32>
          %add3A_302 = arith.addf %add3A_299, %add3A_301 : vector<16xf32>
          %mul3A_303 = arith.constant 1.195000e+02 : f32
          %mul3A_304 = vector.broadcast %mul3A_303 : f32 to vector<16xf32>
          %mul3A_305 = arith.mulf %add3A_302, %mul3A_304 : vector<16xf32>
          %convert_element_type3A_306 = arith.fptosi %mul3A_296 : vector<16xf32> to vector<16xi32>
          %convert_element_type3A_307 = arith.sitofp %convert_element_type3A_306 : vector<16xi32> to vector<16xf32>
          %lt3A_308 = arith.cmpf olt, %mul3A_296, %convert_element_type3A_307 : vector<16xf32>
          %sub3A_309 = arith.constant 1 : i32
          %sub3A_310 = vector.broadcast %sub3A_309 : i32 to vector<16xi32>
          %sub3A_311 = arith.subi %convert_element_type3A_306, %sub3A_310 : vector<16xi32>
          %select_n3A_312 = arith.select %lt3A_308, %sub3A_311, %convert_element_type3A_306 : vector<16xi1>, vector<16xi32>
          %convert_element_type3A_313 = arith.sitofp %select_n3A_312 : vector<16xi32> to vector<16xf32>
          %sub3A_314 = arith.subf %mul3A_296, %convert_element_type3A_313 : vector<16xf32>
          %convert_element_type3A_315 = arith.fptosi %mul3A_305 : vector<16xf32> to vector<16xi32>
          %convert_element_type3A_316 = arith.sitofp %convert_element_type3A_315 : vector<16xi32> to vector<16xf32>
          %lt3A_317 = arith.cmpf olt, %mul3A_305, %convert_element_type3A_316 : vector<16xf32>
          %sub3A_318 = arith.constant 1 : i32
          %sub3A_319 = vector.broadcast %sub3A_318 : i32 to vector<16xi32>
          %sub3A_320 = arith.subi %convert_element_type3A_315, %sub3A_319 : vector<16xi32>
          %select_n3A_321 = arith.select %lt3A_317, %sub3A_320, %convert_element_type3A_315 : vector<16xi1>, vector<16xi32>
          %convert_element_type3A_322 = arith.sitofp %select_n3A_321 : vector<16xi32> to vector<16xf32>
          %sub3A_323 = arith.subf %mul3A_305, %convert_element_type3A_322 : vector<16xf32>
          %ge3A = arith.constant 70 : i32
          %ge3A_324 = vector.broadcast %ge3A : i32 to vector<16xi32>
          %ge3A_325 = arith.cmpi sge, %select_n3A_312, %ge3A_324 : vector<16xi32>
          %le3A = arith.constant 169 : i32
          %le3A_326 = vector.broadcast %le3A : i32 to vector<16xi32>
          %le3A_327 = arith.cmpi sle, %select_n3A_312, %le3A_326 : vector<16xi32>
          %and3A_328 = arith.andi %ge3A_325, %le3A_327 : vector<16xi1>
          %ge3A_329 = arith.constant 69 : i32
          %ge3A_330 = vector.broadcast %ge3A_329 : i32 to vector<16xi32>
          %ge3A_331 = arith.cmpi sge, %select_n3A_312, %ge3A_330 : vector<16xi32>
          %le3A_332 = arith.constant 168 : i32
          %le3A_333 = vector.broadcast %le3A_332 : i32 to vector<16xi32>
          %le3A_334 = arith.cmpi sle, %select_n3A_312, %le3A_333 : vector<16xi32>
          %and3A_335 = arith.andi %ge3A_331, %le3A_334 : vector<16xi1>
          %ge3A_336 = arith.constant 120 : i32
          %ge3A_337 = vector.broadcast %ge3A_336 : i32 to vector<16xi32>
          %ge3A_338 = arith.cmpi sge, %select_n3A_321, %ge3A_337 : vector<16xi32>
          %le3A_339 = arith.constant 219 : i32
          %le3A_340 = vector.broadcast %le3A_339 : i32 to vector<16xi32>
          %le3A_341 = arith.cmpi sle, %select_n3A_321, %le3A_340 : vector<16xi32>
          %and3A_342 = arith.andi %ge3A_338, %le3A_341 : vector<16xi1>
          %ge3A_343 = arith.constant 119 : i32
          %ge3A_344 = vector.broadcast %ge3A_343 : i32 to vector<16xi32>
          %ge3A_345 = arith.cmpi sge, %select_n3A_321, %ge3A_344 : vector<16xi32>
          %le3A_346 = arith.constant 218 : i32
          %le3A_347 = vector.broadcast %le3A_346 : i32 to vector<16xi32>
          %le3A_348 = arith.cmpi sle, %select_n3A_321, %le3A_347 : vector<16xi32>
          %and3A_349 = arith.andi %ge3A_345, %le3A_348 : vector<16xi1>
          %sub3A_350 = arith.constant 70 : i32
          %sub3A_351 = vector.broadcast %sub3A_350 : i32 to vector<16xi32>
          %sub3A_352 = arith.subi %select_n3A_312, %sub3A_351 : vector<16xi32>
          %jit3A_353 = arith.constant 0 : i32
          %jit3A_354 = arith.constant 99 : i32
          %max3A_355 = vector.broadcast %jit3A_353 : i32 to vector<16xi32>
          %max3A_356 = arith.maxsi %max3A_355, %sub3A_352 : vector<16xi32>
          %min3A_357 = vector.broadcast %jit3A_354 : i32 to vector<16xi32>
          %min3A_358 = arith.minsi %min3A_357, %max3A_356 : vector<16xi32>
          %sub3A_359 = arith.constant 69 : i32
          %sub3A_360 = vector.broadcast %sub3A_359 : i32 to vector<16xi32>
          %sub3A_361 = arith.subi %select_n3A_312, %sub3A_360 : vector<16xi32>
          %jit3A_362 = arith.constant 0 : i32
          %jit3A_363 = arith.constant 99 : i32
          %max3A_364 = vector.broadcast %jit3A_362 : i32 to vector<16xi32>
          %max3A_365 = arith.maxsi %max3A_364, %sub3A_361 : vector<16xi32>
          %min3A_366 = vector.broadcast %jit3A_363 : i32 to vector<16xi32>
          %min3A_367 = arith.minsi %min3A_366, %max3A_365 : vector<16xi32>
          %sub3A_368 = arith.constant 120 : i32
          %sub3A_369 = vector.broadcast %sub3A_368 : i32 to vector<16xi32>
          %sub3A_370 = arith.subi %select_n3A_321, %sub3A_369 : vector<16xi32>
          %jit3A_371 = arith.constant 0 : i32
          %jit3A_372 = arith.constant 99 : i32
          %max3A_373 = vector.broadcast %jit3A_371 : i32 to vector<16xi32>
          %max3A_374 = arith.maxsi %max3A_373, %sub3A_370 : vector<16xi32>
          %min3A_375 = vector.broadcast %jit3A_372 : i32 to vector<16xi32>
          %min3A_376 = arith.minsi %min3A_375, %max3A_374 : vector<16xi32>
          %mul3A_377 = arith.constant 100 : i32
          %mul3A_378 = vector.broadcast %mul3A_377 : i32 to vector<16xi32>
          %mul3A_379 = arith.muli %min3A_376, %mul3A_378 : vector<16xi32>
          %sub3A_380 = arith.constant 119 : i32
          %sub3A_381 = vector.broadcast %sub3A_380 : i32 to vector<16xi32>
          %sub3A_382 = arith.subi %select_n3A_321, %sub3A_381 : vector<16xi32>
          %jit3A_383 = arith.constant 0 : i32
          %jit3A_384 = arith.constant 99 : i32
          %max3A_385 = vector.broadcast %jit3A_383 : i32 to vector<16xi32>
          %max3A_386 = arith.maxsi %max3A_385, %sub3A_382 : vector<16xi32>
          %min3A_387 = vector.broadcast %jit3A_384 : i32 to vector<16xi32>
          %min3A_388 = arith.minsi %min3A_387, %max3A_386 : vector<16xi32>
          %mul3A_389 = arith.constant 100 : i32
          %mul3A_390 = vector.broadcast %mul3A_389 : i32 to vector<16xi32>
          %mul3A_391 = arith.muli %min3A_388, %mul3A_390 : vector<16xi32>
          %sub3A_392 = arith.constant 1.000000e+00 : f32
          %sub3A_393 = vector.broadcast %sub3A_392 : f32 to vector<16xf32>
          %sub3A_394 = arith.subf %sub3A_393, %sub3A_314 : vector<16xf32>
          %sub3A_395 = arith.constant 1.000000e+00 : f32
          %sub3A_396 = vector.broadcast %sub3A_395 : f32 to vector<16xf32>
          %sub3A_397 = arith.subf %sub3A_396, %sub3A_323 : vector<16xf32>
          %add3A_398 = arith.addi %mul3A_379, %min3A_358 : vector<16xi32>
          %mul3A_399 = arith.mulf %sub3A_394, %sub3A_397 : vector<16xf32>
          %and3A_400 = arith.andi %and3A_328, %and3A_342 : vector<16xi1>
          %broadcast_in_dim3A_401 = arith.constant 1.000000e+00 : f32
          %broadcast_in_dim3A_402 = vector.broadcast %broadcast_in_dim3A_401 : f32 to vector<16xf32>
          %broadcast_in_dim3A_403 = arith.constant 0.000000e+00 : f32
          %broadcast_in_dim3A_404 = vector.broadcast %broadcast_in_dim3A_403 : f32 to vector<16xf32>
          %select_n3A_405 = arith.select %and3A_400, %broadcast_in_dim3A_402, %broadcast_in_dim3A_404 : vector<16xi1>, vector<16xf32>
          %mul3A_406 = arith.mulf %mul3A_399, %select_n3A_405 : vector<16xf32>
          %gather3A = tpu.vector_load_idx %arg8[%add3A_398] : memref<20480xf32, #tpu.memory_space<vmem>>[vector<16xi32>], vector<16xf32>,
          %mul3A_407 = arith.mulf %mul3A_406, %gather3A : vector<16xf32>
          %add3A_408 = arith.addf %broadcast_in_dim3A_11, %mul3A_407 : vector<16xf32>
          %add3A_409 = arith.constant 10000 : i32
          %add3A_410 = vector.broadcast %add3A_409 : i32 to vector<16xi32>
          %add3A_411 = arith.addi %add3A_398, %add3A_410 : vector<16xi32>
          %gather3A_412 = tpu.vector_load_idx %arg8[%add3A_411] : memref<20480xf32, #tpu.memory_space<vmem>>[vector<16xi32>], vector<16xf32>,
          %mul3A_413 = arith.mulf %mul3A_406, %gather3A_412 : vector<16xf32>
          %add3A_414 = arith.addf %broadcast_in_dim3A_11, %mul3A_413 : vector<16xf32>
          %add3A_415 = arith.addi %mul3A_391, %min3A_358 : vector<16xi32>
          %mul3A_416 = arith.mulf %sub3A_394, %sub3A_323 : vector<16xf32>
          %and3A_417 = arith.andi %and3A_328, %and3A_349 : vector<16xi1>
          %broadcast_in_dim3A_418 = arith.constant 1.000000e+00 : f32
          %broadcast_in_dim3A_419 = vector.broadcast %broadcast_in_dim3A_418 : f32 to vector<16xf32>
          %broadcast_in_dim3A_420 = arith.constant 0.000000e+00 : f32
          %broadcast_in_dim3A_421 = vector.broadcast %broadcast_in_dim3A_420 : f32 to vector<16xf32>
          %select_n3A_422 = arith.select %and3A_417, %broadcast_in_dim3A_419, %broadcast_in_dim3A_421 : vector<16xi1>, vector<16xf32>
          %mul3A_423 = arith.mulf %mul3A_416, %select_n3A_422 : vector<16xf32>
          %gather3A_424 = tpu.vector_load_idx %arg8[%add3A_415] : memref<20480xf32, #tpu.memory_space<vmem>>[vector<16xi32>], vector<16xf32>,
          %mul3A_425 = arith.mulf %mul3A_423, %gather3A_424 : vector<16xf32>
          %add3A_426 = arith.addf %add3A_408, %mul3A_425 : vector<16xf32>
          %add3A_427 = arith.constant 10000 : i32
          %add3A_428 = vector.broadcast %add3A_427 : i32 to vector<16xi32>
          %add3A_429 = arith.addi %add3A_415, %add3A_428 : vector<16xi32>
          %gather3A_430 = tpu.vector_load_idx %arg8[%add3A_429] : memref<20480xf32, #tpu.memory_space<vmem>>[vector<16xi32>], vector<16xf32>,
          %mul3A_431 = arith.mulf %mul3A_423, %gather3A_430 : vector<16xf32>
          %add3A_432 = arith.addf %add3A_414, %mul3A_431 : vector<16xf32>
          %sub3A_433 = arith.constant 1.000000e+00 : f32
          %sub3A_434 = vector.broadcast %sub3A_433 : f32 to vector<16xf32>
          %sub3A_435 = arith.subf %sub3A_434, %sub3A_323 : vector<16xf32>
          %add3A_436 = arith.addi %mul3A_379, %min3A_367 : vector<16xi32>
          %mul3A_437 = arith.mulf %sub3A_314, %sub3A_435 : vector<16xf32>
          %and3A_438 = arith.andi %and3A_335, %and3A_342 : vector<16xi1>
          %broadcast_in_dim3A_439 = arith.constant 1.000000e+00 : f32
          %broadcast_in_dim3A_440 = vector.broadcast %broadcast_in_dim3A_439 : f32 to vector<16xf32>
          %broadcast_in_dim3A_441 = arith.constant 0.000000e+00 : f32
          %broadcast_in_dim3A_442 = vector.broadcast %broadcast_in_dim3A_441 : f32 to vector<16xf32>
          %select_n3A_443 = arith.select %and3A_438, %broadcast_in_dim3A_440, %broadcast_in_dim3A_442 : vector<16xi1>, vector<16xf32>
          %mul3A_444 = arith.mulf %mul3A_437, %select_n3A_443 : vector<16xf32>
          %gather3A_445 = tpu.vector_load_idx %arg8[%add3A_436] : memref<20480xf32, #tpu.memory_space<vmem>>[vector<16xi32>], vector<16xf32>,
          %mul3A_446 = arith.mulf %mul3A_444, %gather3A_445 : vector<16xf32>
          %add3A_447 = arith.addf %add3A_426, %mul3A_446 : vector<16xf32>
          %add3A_448 = arith.constant 10000 : i32
          %add3A_449 = vector.broadcast %add3A_448 : i32 to vector<16xi32>
          %add3A_450 = arith.addi %add3A_436, %add3A_449 : vector<16xi32>
          %gather3A_451 = tpu.vector_load_idx %arg8[%add3A_450] : memref<20480xf32, #tpu.memory_space<vmem>>[vector<16xi32>], vector<16xf32>,
          %mul3A_452 = arith.mulf %mul3A_444, %gather3A_451 : vector<16xf32>
          %add3A_453 = arith.addf %add3A_432, %mul3A_452 : vector<16xf32>
          %add3A_454 = arith.addi %mul3A_391, %min3A_367 : vector<16xi32>
          %mul3A_455 = arith.mulf %sub3A_314, %sub3A_323 : vector<16xf32>
          %and3A_456 = arith.andi %and3A_335, %and3A_349 : vector<16xi1>
          %broadcast_in_dim3A_457 = arith.constant 1.000000e+00 : f32
          %broadcast_in_dim3A_458 = vector.broadcast %broadcast_in_dim3A_457 : f32 to vector<16xf32>
          %broadcast_in_dim3A_459 = arith.constant 0.000000e+00 : f32
          %broadcast_in_dim3A_460 = vector.broadcast %broadcast_in_dim3A_459 : f32 to vector<16xf32>
          %select_n3A_461 = arith.select %and3A_456, %broadcast_in_dim3A_458, %broadcast_in_dim3A_460 : vector<16xi1>, vector<16xf32>
          %mul3A_462 = arith.mulf %mul3A_455, %select_n3A_461 : vector<16xf32>
          %gather3A_463 = tpu.vector_load_idx %arg8[%add3A_454] : memref<20480xf32, #tpu.memory_space<vmem>>[vector<16xi32>], vector<16xf32>,
          %mul3A_464 = arith.mulf %mul3A_462, %gather3A_463 : vector<16xf32>
          %add3A_465 = arith.addf %add3A_447, %mul3A_464 : vector<16xf32>
          %add3A_466 = arith.constant 10000 : i32
          %add3A_467 = vector.broadcast %add3A_466 : i32 to vector<16xi32>
          %add3A_468 = arith.addi %add3A_454, %add3A_467 : vector<16xi32>
          %gather3A_469 = tpu.vector_load_idx %arg8[%add3A_468] : memref<20480xf32, #tpu.memory_space<vmem>>[vector<16xi32>], vector<16xf32>,
          %mul3A_470 = arith.mulf %mul3A_462, %gather3A_469 : vector<16xf32>
          %add3A_471 = arith.addf %add3A_453, %mul3A_470 : vector<16xf32>
          %mul3A_472 = arith.constant 240 : i32
          %mul3A_473 = arith.muli %scan3A_231, %mul3A_472 : i32
          %mul3A_474 = arith.constant 16 : i32
          %mul3A_475 = arith.muli %scan3A_261, %mul3A_474 : i32
          %add3A_476 = arith.addi %mul3A_473, %mul3A_475 : i32
          %swap3A = arith.index_cast %add3A_476 : i32 to index
          %swap3A_477 = tpu.vector_load %arg12[%swap3A] {strides = array<i32>} : memref<7200xf32, #tpu.memory_space<vmem>>, vector<16xf32>,
          tpu.vector_store %arg12[%swap3A], %add3A_465 {strides = array<i32>} : memref<7200xf32, #tpu.memory_space<vmem>>, vector<16xf32>,
          %mul3A_478 = arith.constant 240 : i32
          %mul3A_479 = arith.muli %scan3A_231, %mul3A_478 : i32
          %add3A_480 = arith.constant 3600 : i32
          %add3A_481 = arith.addi %add3A_480, %mul3A_479 : i32
          %mul3A_482 = arith.constant 16 : i32
          %mul3A_483 = arith.muli %scan3A_261, %mul3A_482 : i32
          %add3A_484 = arith.addi %add3A_481, %mul3A_483 : i32
          %swap3A_485 = arith.index_cast %add3A_484 : i32 to index
          %swap3A_486 = tpu.vector_load %arg12[%swap3A_485] {strides = array<i32>} : memref<7200xf32, #tpu.memory_space<vmem>>, vector<16xf32>,
          tpu.vector_store %arg12[%swap3A_485], %add3A_471 {strides = array<i32>} : memref<7200xf32, #tpu.memory_space<vmem>>, vector<16xf32>,
        }
        %scan3A_260 = arith.constant 15 : i32
      }
      %scan3A_127 = arith.constant 15 : i32
      %mul3A_128 = arith.constant 240 : i32
      %mul3A_129 = arith.muli %mul3A_121, %mul3A_128 : i32
      "tpu.region"() ({
        %run_scoped3A = tpu.sem_alloc : memref<!tpu.dma_semaphore, #tpu.memory_space<semaphore_mem>>
        %dma_start3A = arith.constant 0 : i32
        %dma_start3A_231 = tpu.memref_slice %arg12[%dma_start3A] : memref<7200xf32, #tpu.memory_space<vmem>> -> memref<3600xf32, #tpu.memory_space<vmem>>
        %dma_start3A_232 = tpu.memref_slice %arg18[%mul3A_129] : memref<115200xf32, #tpu.memory_space<vmem_shared>> -> memref<3600xf32, #tpu.memory_space<vmem_shared>>
        %dma_start3A_233 = tpu.memref_slice %arg18[%mul3A_129] : memref<115200xf32, #tpu.memory_space<vmem_shared>> -> memref<3600xf32, #tpu.memory_space<vmem_shared>>
        %dma_start3A_234 = arith.constant 0 : i32
        %dma_start3A_235 = tpu.memref_slice %arg12[%dma_start3A_234] : memref<7200xf32, #tpu.memory_space<vmem>> -> memref<3600xf32, #tpu.memory_space<vmem>>
        tpu.enqueue_dma source(%dma_start3A_235 : memref<3600xf32, #tpu.memory_space<vmem>>) target(%dma_start3A_233 : memref<3600xf32, #tpu.memory_space<vmem_shared>>) target_semaphore(%run_scoped3A : memref<!tpu.dma_semaphore, #tpu.memory_space<semaphore_mem>>)
        %dma_wait3A = arith.constant 0 : i32
        %dma_wait3A_236 = tpu.memref_slice %arg12[%dma_wait3A] : memref<7200xf32, #tpu.memory_space<vmem>> -> memref<3600xf32, #tpu.memory_space<vmem>>
        %dma_wait3A_237 = tpu.memref_slice %arg18[%mul3A_129] : memref<115200xf32, #tpu.memory_space<vmem_shared>> -> memref<3600xf32, #tpu.memory_space<vmem_shared>>
        %dma_wait3A_238 = tpu.memref_slice %arg18[%mul3A_129] : memref<115200xf32, #tpu.memory_space<vmem_shared>> -> memref<3600xf32, #tpu.memory_space<vmem_shared>>
        %dma_wait3A_239 = arith.constant 0 : i32
        %dma_wait3A_240 = tpu.memref_slice %arg12[%dma_wait3A_239] : memref<7200xf32, #tpu.memory_space<vmem>> -> memref<3600xf32, #tpu.memory_space<vmem>>
        tpu.wait_dma2 semaphore(%run_scoped3A : memref<!tpu.dma_semaphore, #tpu.memory_space<semaphore_mem>>) src(%dma_wait3A_240 : memref<3600xf32, #tpu.memory_space<vmem>>) dst(%dma_wait3A_238 : memref<3600xf32, #tpu.memory_space<vmem_shared>>)
        tpu.yield
      }) : () -> ()
      %mul3A_130 = arith.constant 240 : i32
      %mul3A_131 = arith.muli %mul3A_121, %mul3A_130 : i32
      %add3A_132 = arith.constant 57600 : i32
      %add3A_133 = arith.addi %add3A_132, %mul3A_131 : i32
      "tpu.region"() ({
        %run_scoped3A = tpu.sem_alloc : memref<!tpu.dma_semaphore, #tpu.memory_space<semaphore_mem>>
        %dma_start3A = arith.constant 3600 : i32
        %dma_start3A_231 = tpu.memref_slice %arg12[%dma_start3A] : memref<7200xf32, #tpu.memory_space<vmem>> -> memref<3600xf32, #tpu.memory_space<vmem>>
        %dma_start3A_232 = tpu.memref_slice %arg18[%add3A_133] : memref<115200xf32, #tpu.memory_space<vmem_shared>> -> memref<3600xf32, #tpu.memory_space<vmem_shared>>
        %dma_start3A_233 = tpu.memref_slice %arg18[%add3A_133] : memref<115200xf32, #tpu.memory_space<vmem_shared>> -> memref<3600xf32, #tpu.memory_space<vmem_shared>>
        %dma_start3A_234 = arith.constant 3600 : i32
        %dma_start3A_235 = tpu.memref_slice %arg12[%dma_start3A_234] : memref<7200xf32, #tpu.memory_space<vmem>> -> memref<3600xf32, #tpu.memory_space<vmem>>
        tpu.enqueue_dma source(%dma_start3A_235 : memref<3600xf32, #tpu.memory_space<vmem>>) target(%dma_start3A_233 : memref<3600xf32, #tpu.memory_space<vmem_shared>>) target_semaphore(%run_scoped3A : memref<!tpu.dma_semaphore, #tpu.memory_space<semaphore_mem>>)
        %dma_wait3A = arith.constant 3600 : i32
        %dma_wait3A_236 = tpu.memref_slice %arg12[%dma_wait3A] : memref<7200xf32, #tpu.memory_space<vmem>> -> memref<3600xf32, #tpu.memory_space<vmem>>
        %dma_wait3A_237 = tpu.memref_slice %arg18[%add3A_133] : memref<115200xf32, #tpu.memory_space<vmem_shared>> -> memref<3600xf32, #tpu.memory_space<vmem_shared>>
        %dma_wait3A_238 = tpu.memref_slice %arg18[%add3A_133] : memref<115200xf32, #tpu.memory_space<vmem_shared>> -> memref<3600xf32, #tpu.memory_space<vmem_shared>>
        %dma_wait3A_239 = arith.constant 3600 : i32
        %dma_wait3A_240 = tpu.memref_slice %arg12[%dma_wait3A_239] : memref<7200xf32, #tpu.memory_space<vmem>> -> memref<3600xf32, #tpu.memory_space<vmem>>
        tpu.wait_dma2 semaphore(%run_scoped3A : memref<!tpu.dma_semaphore, #tpu.memory_space<semaphore_mem>>) src(%dma_wait3A_240 : memref<3600xf32, #tpu.memory_space<vmem>>) dst(%dma_wait3A_238 : memref<3600xf32, #tpu.memory_space<vmem_shared>>)
        tpu.yield
      }) : () -> ()
      %barrier3A_134 = arith.constant 0 : index
      tpu.barrier barrier_id(%barrier3A_134)
      %broadcast_in_dim3A_135 = arith.constant 0.000000e+00 : f32
      %broadcast_in_dim3A_136 = vector.broadcast %broadcast_in_dim3A_135 : f32 to vector<16xf32>
      %convert_element_type3A_137 = arith.sitofp %mul3A_121 : i32 to f32
      %mul3A_138 = arith.constant 0.00836820062 : f32
      %mul3A_139 = arith.mulf %convert_element_type3A_137, %mul3A_138 : f32
      %add3A_140 = arith.constant -1.000000e+00 : f32
      %add3A_141 = arith.addf %add3A_140, %mul3A_139 : f32
      %add3A_142 = vector.broadcast %add3A_141 : f32 to vector<16xf32>
      %add3A_143 = arith.addf %broadcast_in_dim3A_136, %add3A_142 : vector<16xf32>
      %bitcast3A_144 = vector.bitcast %add3A_143 : vector<16xf32> to vector<16xi32>
      %shift_right_arithmetic3A_145 = arith.constant 16 : i32
      %shift_right_arithmetic3A_146 = vector.broadcast %shift_right_arithmetic3A_145 : i32 to vector<16xi32>
      %shift_right_arithmetic3A_147 = arith.shrsi %bitcast3A_144, %shift_right_arithmetic3A_146 : vector<16xi32>
      %and3A_148 = arith.constant 1 : i32
      %and3A_149 = vector.broadcast %and3A_148 : i32 to vector<16xi32>
      %and3A_150 = arith.andi %shift_right_arithmetic3A_147, %and3A_149 : vector<16xi32>
      %add3A_151 = arith.constant 32767 : i32
      %add3A_152 = vector.broadcast %add3A_151 : i32 to vector<16xi32>
      %add3A_153 = arith.addi %bitcast3A_144, %add3A_152 : vector<16xi32>
      %add3A_154 = arith.addi %add3A_153, %and3A_150 : vector<16xi32>
      %and3A_155 = arith.constant -65536 : i32
      %and3A_156 = vector.broadcast %and3A_155 : i32 to vector<16xi32>
      %and3A_157 = arith.andi %add3A_154, %and3A_156 : vector<16xi32>
      %bitcast3A_158 = vector.bitcast %and3A_157 : vector<16xi32> to vector<16xf32>
      %add3A_159 = arith.addf %bitcast3A_67, %bitcast3A_158 : vector<16xf32>
      %add3A_160 = arith.constant 1.000000e+00 : f32
      %add3A_161 = vector.broadcast %add3A_160 : f32 to vector<16xf32>
      %add3A_162 = arith.addf %add3A_159, %add3A_161 : vector<16xf32>
      %mul3A_163 = arith.constant 1.195000e+02 : f32
      %mul3A_164 = vector.broadcast %mul3A_163 : f32 to vector<16xf32>
      %mul3A_165 = arith.mulf %add3A_162, %mul3A_164 : vector<16xf32>
      %reduce_min3A = arith.constant true
      %reduce_min3A_166 = vector.broadcast %reduce_min3A : i1 to vector<16xi1>
      %reduce_min3A_167 = tpu.scan <min>, %mul3A_165 masked %reduce_min3A_166 : vector<16xf32>, vector<16xi1> -> vector<16xf32>
      %reduce_min3A_168 = vector.extract %reduce_min3A_167[15] : f32 from vector<16xf32>
      %convert_element_type3A_169 = arith.fptosi %reduce_min3A_168 : f32 to i32
      %convert_element_type3A_170 = arith.sitofp %convert_element_type3A_169 : i32 to f32
      %lt3A = arith.cmpf olt, %reduce_min3A_168, %convert_element_type3A_170 : f32
      %sub3A = arith.constant 1 : i32
      %sub3A_171 = arith.subi %convert_element_type3A_169, %sub3A : i32
      %select_n3A = arith.select %lt3A, %sub3A_171, %convert_element_type3A_169 : i32
      %sub3A_172 = arith.constant 1 : i32
      %sub3A_173 = arith.subi %select_n3A, %sub3A_172 : i32
      %jit3A = arith.constant 0 : i32
      %jit3A_174 = arith.constant 216 : i32
      %max3A = arith.maxsi %jit3A, %sub3A_173 : i32
      %min3A = arith.minsi %jit3A_174, %max3A : i32
      %mul3A_175 = arith.constant 240 : i32
      %mul3A_176 = arith.muli %min3A, %mul3A_175 : i32
      "tpu.region"() ({
        %run_scoped3A = tpu.sem_alloc : memref<!tpu.dma_semaphore, #tpu.memory_space<semaphore_mem>>
        %dma_start3A = arith.constant 0 : i32
        %dma_start3A_231 = tpu.memref_slice %arg13[%dma_start3A] : memref<11520xf32, #tpu.memory_space<vmem>> -> memref<5760xf32, #tpu.memory_space<vmem>>
        %dma_start3A_232 = tpu.memref_slice %arg18[%mul3A_176] : memref<115200xf32, #tpu.memory_space<vmem_shared>> -> memref<5760xf32, #tpu.memory_space<vmem_shared>>
        %dma_start3A_233 = arith.constant 0 : i32
        %dma_start3A_234 = tpu.memref_slice %arg13[%dma_start3A_233] : memref<11520xf32, #tpu.memory_space<vmem>> -> memref<5760xf32, #tpu.memory_space<vmem>>
        %dma_start3A_235 = tpu.memref_slice %arg18[%mul3A_176] : memref<115200xf32, #tpu.memory_space<vmem_shared>> -> memref<5760xf32, #tpu.memory_space<vmem_shared>>
        tpu.enqueue_dma source(%dma_start3A_235 : memref<5760xf32, #tpu.memory_space<vmem_shared>>) target(%dma_start3A_234 : memref<5760xf32, #tpu.memory_space<vmem>>) target_semaphore(%run_scoped3A : memref<!tpu.dma_semaphore, #tpu.memory_space<semaphore_mem>>)
        %dma_wait3A = arith.constant 0 : i32
        %dma_wait3A_236 = tpu.memref_slice %arg13[%dma_wait3A] : memref<11520xf32, #tpu.memory_space<vmem>> -> memref<5760xf32, #tpu.memory_space<vmem>>
        %dma_wait3A_237 = tpu.memref_slice %arg18[%mul3A_176] : memref<115200xf32, #tpu.memory_space<vmem_shared>> -> memref<5760xf32, #tpu.memory_space<vmem_shared>>
        %dma_wait3A_238 = arith.constant 0 : i32
        %dma_wait3A_239 = tpu.memref_slice %arg13[%dma_wait3A_238] : memref<11520xf32, #tpu.memory_space<vmem>> -> memref<5760xf32, #tpu.memory_space<vmem>>
        %dma_wait3A_240 = tpu.memref_slice %arg18[%mul3A_176] : memref<115200xf32, #tpu.memory_space<vmem_shared>> -> memref<5760xf32, #tpu.memory_space<vmem_shared>>
        tpu.wait_dma2 semaphore(%run_scoped3A : memref<!tpu.dma_semaphore, #tpu.memory_space<semaphore_mem>>) src(%dma_wait3A_240 : memref<5760xf32, #tpu.memory_space<vmem_shared>>) dst(%dma_wait3A_239 : memref<5760xf32, #tpu.memory_space<vmem>>)
        tpu.yield
      }) : () -> ()
      %mul3A_177 = arith.constant 240 : i32
      %mul3A_178 = arith.muli %min3A, %mul3A_177 : i32
      %add3A_179 = arith.constant 57600 : i32
      %add3A_180 = arith.addi %add3A_179, %mul3A_178 : i32
      "tpu.region"() ({
        %run_scoped3A = tpu.sem_alloc : memref<!tpu.dma_semaphore, #tpu.memory_space<semaphore_mem>>
        %dma_start3A = arith.constant 5760 : i32
        %dma_start3A_231 = tpu.memref_slice %arg13[%dma_start3A] : memref<11520xf32, #tpu.memory_space<vmem>> -> memref<5760xf32, #tpu.memory_space<vmem>>
        %dma_start3A_232 = tpu.memref_slice %arg18[%add3A_180] : memref<115200xf32, #tpu.memory_space<vmem_shared>> -> memref<5760xf32, #tpu.memory_space<vmem_shared>>
        %dma_start3A_233 = arith.constant 5760 : i32
        %dma_start3A_234 = tpu.memref_slice %arg13[%dma_start3A_233] : memref<11520xf32, #tpu.memory_space<vmem>> -> memref<5760xf32, #tpu.memory_space<vmem>>
        %dma_start3A_235 = tpu.memref_slice %arg18[%add3A_180] : memref<115200xf32, #tpu.memory_space<vmem_shared>> -> memref<5760xf32, #tpu.memory_space<vmem_shared>>
        tpu.enqueue_dma source(%dma_start3A_235 : memref<5760xf32, #tpu.memory_space<vmem_shared>>) target(%dma_start3A_234 : memref<5760xf32, #tpu.memory_space<vmem>>) target_semaphore(%run_scoped3A : memref<!tpu.dma_semaphore, #tpu.memory_space<semaphore_mem>>)
        %dma_wait3A = arith.constant 5760 : i32
        %dma_wait3A_236 = tpu.memref_slice %arg13[%dma_wait3A] : memref<11520xf32, #tpu.memory_space<vmem>> -> memref<5760xf32, #tpu.memory_space<vmem>>
        %dma_wait3A_237 = tpu.memref_slice %arg18[%add3A_180] : memref<115200xf32, #tpu.memory_space<vmem_shared>> -> memref<5760xf32, #tpu.memory_space<vmem_shared>>
        %dma_wait3A_238 = arith.constant 5760 : i32
        %dma_wait3A_239 = tpu.memref_slice %arg13[%dma_wait3A_238] : memref<11520xf32, #tpu.memory_space<vmem>> -> memref<5760xf32, #tpu.memory_space<vmem>>
        %dma_wait3A_240 = tpu.memref_slice %arg18[%add3A_180] : memref<115200xf32, #tpu.memory_space<vmem_shared>> -> memref<5760xf32, #tpu.memory_space<vmem_shared>>
        tpu.wait_dma2 semaphore(%run_scoped3A : memref<!tpu.dma_semaphore, #tpu.memory_space<semaphore_mem>>) src(%dma_wait3A_240 : memref<5760xf32, #tpu.memory_space<vmem_shared>>) dst(%dma_wait3A_239 : memref<5760xf32, #tpu.memory_space<vmem>>)
        tpu.yield
      }) : () -> ()
      %scan3A_181 = arith.constant 0 : i32
      %scan3A_182 = arith.constant 0 : i32
      %scan3A_183 = arith.constant 15 : i32
      %scan3A_184 = arith.addi %scan3A_182, %scan3A_183 : i32
      %scan3A_185 = arith.constant 1 : i32
      scf.for %scan3A_231 = %scan3A_182 to %scan3A_184 step %scan3A_185  : i32 {
        %add3A_232 = arith.addi %mul3A_121, %scan3A_231 : i32
        %broadcast_in_dim3A_233 = arith.constant -1.000000e+00 : f32
        %broadcast_in_dim3A_234 = vector.broadcast %broadcast_in_dim3A_233 : f32 to vector<16xf32>
        %convert_element_type3A_235 = arith.sitofp %add3A_232 : i32 to f32
        %mul3A_236 = arith.constant 0.00836820062 : f32
        %mul3A_237 = arith.mulf %convert_element_type3A_235, %mul3A_236 : f32
        %add3A_238 = vector.broadcast %mul3A_237 : f32 to vector<16xf32>
        %add3A_239 = arith.addf %broadcast_in_dim3A_234, %add3A_238 : vector<16xf32>
        %bitcast3A_240 = vector.bitcast %add3A_239 : vector<16xf32> to vector<16xi32>
        %shift_right_arithmetic3A_241 = arith.constant 16 : i32
        %shift_right_arithmetic3A_242 = vector.broadcast %shift_right_arithmetic3A_241 : i32 to vector<16xi32>
        %shift_right_arithmetic3A_243 = arith.shrsi %bitcast3A_240, %shift_right_arithmetic3A_242 : vector<16xi32>
        %and3A_244 = arith.constant 1 : i32
        %and3A_245 = vector.broadcast %and3A_244 : i32 to vector<16xi32>
        %and3A_246 = arith.andi %shift_right_arithmetic3A_243, %and3A_245 : vector<16xi32>
        %add3A_247 = arith.constant 32767 : i32
        %add3A_248 = vector.broadcast %add3A_247 : i32 to vector<16xi32>
        %add3A_249 = arith.addi %bitcast3A_240, %add3A_248 : vector<16xi32>
        %add3A_250 = arith.addi %add3A_249, %and3A_246 : vector<16xi32>
        %and3A_251 = arith.constant -65536 : i32
        %and3A_252 = vector.broadcast %and3A_251 : i32 to vector<16xi32>
        %and3A_253 = arith.andi %add3A_250, %and3A_252 : vector<16xi32>
        %bitcast3A_254 = vector.bitcast %and3A_253 : vector<16xi32> to vector<16xf32>
        %add3A_255 = arith.addf %bitcast3A_254, %bitcast3A_67 : vector<16xf32>
        %add3A_256 = arith.constant 1.000000e+00 : f32
        %add3A_257 = vector.broadcast %add3A_256 : f32 to vector<16xf32>
        %add3A_258 = arith.addf %add3A_255, %add3A_257 : vector<16xf32>
        %mul3A_259 = arith.constant 1.195000e+02 : f32
        %mul3A_260 = vector.broadcast %mul3A_259 : f32 to vector<16xf32>
        %mul3A_261 = arith.mulf %add3A_258, %mul3A_260 : vector<16xf32>
        %convert_element_type3A_262 = arith.fptosi %mul3A_261 : vector<16xf32> to vector<16xi32>
        %convert_element_type3A_263 = arith.sitofp %convert_element_type3A_262 : vector<16xi32> to vector<16xf32>
        %lt3A_264 = arith.cmpf olt, %mul3A_261, %convert_element_type3A_263 : vector<16xf32>
        %sub3A_265 = arith.constant 1 : i32
        %sub3A_266 = vector.broadcast %sub3A_265 : i32 to vector<16xi32>
        %sub3A_267 = arith.subi %convert_element_type3A_262, %sub3A_266 : vector<16xi32>
        %select_n3A_268 = arith.select %lt3A_264, %sub3A_267, %convert_element_type3A_262 : vector<16xi1>, vector<16xi32>
        %convert_element_type3A_269 = arith.sitofp %select_n3A_268 : vector<16xi32> to vector<16xf32>
        %sub3A_270 = arith.subf %mul3A_261, %convert_element_type3A_269 : vector<16xf32>
        %ge3A = arith.constant 0 : i32
        %ge3A_271 = vector.broadcast %ge3A : i32 to vector<16xi32>
        %ge3A_272 = arith.cmpi sge, %select_n3A_268, %ge3A_271 : vector<16xi32>
        %le3A = arith.constant 239 : i32
        %le3A_273 = vector.broadcast %le3A : i32 to vector<16xi32>
        %le3A_274 = arith.cmpi sle, %select_n3A_268, %le3A_273 : vector<16xi32>
        %and3A_275 = arith.andi %ge3A_272, %le3A_274 : vector<16xi1>
        %ge3A_276 = arith.constant -1 : i32
        %ge3A_277 = vector.broadcast %ge3A_276 : i32 to vector<16xi32>
        %ge3A_278 = arith.cmpi sge, %select_n3A_268, %ge3A_277 : vector<16xi32>
        %le3A_279 = arith.constant 238 : i32
        %le3A_280 = vector.broadcast %le3A_279 : i32 to vector<16xi32>
        %le3A_281 = arith.cmpi sle, %select_n3A_268, %le3A_280 : vector<16xi32>
        %and3A_282 = arith.andi %ge3A_278, %le3A_281 : vector<16xi1>
        %sub3A_283 = vector.broadcast %min3A : i32 to vector<16xi32>
        %sub3A_284 = arith.subi %select_n3A_268, %sub3A_283 : vector<16xi32>
        %jit3A_285 = arith.constant 0 : i32
        %jit3A_286 = arith.constant 23 : i32
        %max3A_287 = vector.broadcast %jit3A_285 : i32 to vector<16xi32>
        %max3A_288 = arith.maxsi %max3A_287, %sub3A_284 : vector<16xi32>
        %min3A_289 = vector.broadcast %jit3A_286 : i32 to vector<16xi32>
        %min3A_290 = arith.minsi %min3A_289, %max3A_288 : vector<16xi32>
        %mul3A_291 = arith.constant 240 : i32
        %mul3A_292 = vector.broadcast %mul3A_291 : i32 to vector<16xi32>
        %mul3A_293 = arith.muli %min3A_290, %mul3A_292 : vector<16xi32>
        %add3A_294 = arith.constant 1 : i32
        %add3A_295 = vector.broadcast %add3A_294 : i32 to vector<16xi32>
        %add3A_296 = arith.addi %select_n3A_268, %add3A_295 : vector<16xi32>
        %sub3A_297 = vector.broadcast %min3A : i32 to vector<16xi32>
        %sub3A_298 = arith.subi %add3A_296, %sub3A_297 : vector<16xi32>
        %jit3A_299 = arith.constant 0 : i32
        %jit3A_300 = arith.constant 23 : i32
        %max3A_301 = vector.broadcast %jit3A_299 : i32 to vector<16xi32>
        %max3A_302 = arith.maxsi %max3A_301, %sub3A_298 : vector<16xi32>
        %min3A_303 = vector.broadcast %jit3A_300 : i32 to vector<16xi32>
        %min3A_304 = arith.minsi %min3A_303, %max3A_302 : vector<16xi32>
        %mul3A_305 = arith.constant 240 : i32
        %mul3A_306 = vector.broadcast %mul3A_305 : i32 to vector<16xi32>
        %mul3A_307 = arith.muli %min3A_304, %mul3A_306 : vector<16xi32>
        %scan3A_308 = arith.constant 0 : i32
        %scan3A_309 = arith.constant 0 : i32
        %scan3A_310 = arith.constant 15 : i32
        %scan3A_311 = arith.addi %scan3A_309, %scan3A_310 : i32
        %scan3A_312 = arith.constant 1 : i32
        scf.for %scan3A_314 = %scan3A_309 to %scan3A_311 step %scan3A_312  : i32 {
          %mul3A_315 = arith.constant 16 : i32
          %mul3A_316 = arith.muli %scan3A_314, %mul3A_315 : i32
          %add3A_317 = vector.broadcast %mul3A_316 : i32 to vector<16xi32>
          %add3A_318 = arith.addi %add3A_317, %iota3A : vector<16xi32>
          %convert_element_type3A_319 = arith.sitofp %add3A_318 : vector<16xi32> to vector<16xf32>
          %mul3A_320 = arith.constant 0.00836820062 : f32
          %mul3A_321 = vector.broadcast %mul3A_320 : f32 to vector<16xf32>
          %mul3A_322 = arith.mulf %convert_element_type3A_319, %mul3A_321 : vector<16xf32>
          %add3A_323 = arith.constant -1.000000e+00 : f32
          %add3A_324 = vector.broadcast %add3A_323 : f32 to vector<16xf32>
          %add3A_325 = arith.addf %add3A_324, %mul3A_322 : vector<16xf32>
          %bitcast3A_326 = vector.bitcast %add3A_325 : vector<16xf32> to vector<16xi32>
          %shift_right_arithmetic3A_327 = arith.constant 16 : i32
          %shift_right_arithmetic3A_328 = vector.broadcast %shift_right_arithmetic3A_327 : i32 to vector<16xi32>
          %shift_right_arithmetic3A_329 = arith.shrsi %bitcast3A_326, %shift_right_arithmetic3A_328 : vector<16xi32>
          %and3A_330 = arith.constant 1 : i32
          %and3A_331 = vector.broadcast %and3A_330 : i32 to vector<16xi32>
          %and3A_332 = arith.andi %shift_right_arithmetic3A_329, %and3A_331 : vector<16xi32>
          %add3A_333 = arith.constant 32767 : i32
          %add3A_334 = vector.broadcast %add3A_333 : i32 to vector<16xi32>
          %add3A_335 = arith.addi %bitcast3A_326, %add3A_334 : vector<16xi32>
          %add3A_336 = arith.addi %add3A_335, %and3A_332 : vector<16xi32>
          %and3A_337 = arith.constant -65536 : i32
          %and3A_338 = vector.broadcast %and3A_337 : i32 to vector<16xi32>
          %and3A_339 = arith.andi %add3A_336, %and3A_338 : vector<16xi32>
          %bitcast3A_340 = vector.bitcast %and3A_339 : vector<16xi32> to vector<16xf32>
          %add3A_341 = arith.addf %bitcast3A_340, %bitcast3A_52 : vector<16xf32>
          %add3A_342 = arith.constant 1.000000e+00 : f32
          %add3A_343 = vector.broadcast %add3A_342 : f32 to vector<16xf32>
          %add3A_344 = arith.addf %add3A_341, %add3A_343 : vector<16xf32>
          %mul3A_345 = arith.constant 1.195000e+02 : f32
          %mul3A_346 = vector.broadcast %mul3A_345 : f32 to vector<16xf32>
          %mul3A_347 = arith.mulf %add3A_344, %mul3A_346 : vector<16xf32>
          %convert_element_type3A_348 = arith.fptosi %mul3A_347 : vector<16xf32> to vector<16xi32>
          %convert_element_type3A_349 = arith.sitofp %convert_element_type3A_348 : vector<16xi32> to vector<16xf32>
          %lt3A_350 = arith.cmpf olt, %mul3A_347, %convert_element_type3A_349 : vector<16xf32>
          %sub3A_351 = arith.constant 1 : i32
          %sub3A_352 = vector.broadcast %sub3A_351 : i32 to vector<16xi32>
          %sub3A_353 = arith.subi %convert_element_type3A_348, %sub3A_352 : vector<16xi32>
          %select_n3A_354 = arith.select %lt3A_350, %sub3A_353, %convert_element_type3A_348 : vector<16xi1>, vector<16xi32>
          %convert_element_type3A_355 = arith.sitofp %select_n3A_354 : vector<16xi32> to vector<16xf32>
          %sub3A_356 = arith.subf %mul3A_347, %convert_element_type3A_355 : vector<16xf32>
          %ge3A_357 = arith.constant 0 : i32
          %ge3A_358 = vector.broadcast %ge3A_357 : i32 to vector<16xi32>
          %ge3A_359 = arith.cmpi sge, %select_n3A_354, %ge3A_358 : vector<16xi32>
          %le3A_360 = arith.constant 239 : i32
          %le3A_361 = vector.broadcast %le3A_360 : i32 to vector<16xi32>
          %le3A_362 = arith.cmpi sle, %select_n3A_354, %le3A_361 : vector<16xi32>
          %and3A_363 = arith.andi %ge3A_359, %le3A_362 : vector<16xi1>
          %ge3A_364 = arith.constant -1 : i32
          %ge3A_365 = vector.broadcast %ge3A_364 : i32 to vector<16xi32>
          %ge3A_366 = arith.cmpi sge, %select_n3A_354, %ge3A_365 : vector<16xi32>
          %le3A_367 = arith.constant 238 : i32
          %le3A_368 = vector.broadcast %le3A_367 : i32 to vector<16xi32>
          %le3A_369 = arith.cmpi sle, %select_n3A_354, %le3A_368 : vector<16xi32>
          %and3A_370 = arith.andi %ge3A_366, %le3A_369 : vector<16xi1>
          %jit3A_371 = arith.constant 0 : i32
          %jit3A_372 = arith.constant 239 : i32
          %max3A_373 = vector.broadcast %jit3A_371 : i32 to vector<16xi32>
          %max3A_374 = arith.maxsi %max3A_373, %select_n3A_354 : vector<16xi32>
          %min3A_375 = vector.broadcast %jit3A_372 : i32 to vector<16xi32>
          %min3A_376 = arith.minsi %min3A_375, %max3A_374 : vector<16xi32>
          %add3A_377 = arith.constant 1 : i32
          %add3A_378 = vector.broadcast %add3A_377 : i32 to vector<16xi32>
          %add3A_379 = arith.addi %select_n3A_354, %add3A_378 : vector<16xi32>
          %jit3A_380 = arith.constant 0 : i32
          %jit3A_381 = arith.constant 239 : i32
          %max3A_382 = vector.broadcast %jit3A_380 : i32 to vector<16xi32>
          %max3A_383 = arith.maxsi %max3A_382, %add3A_379 : vector<16xi32>
          %min3A_384 = vector.broadcast %jit3A_381 : i32 to vector<16xi32>
          %min3A_385 = arith.minsi %min3A_384, %max3A_383 : vector<16xi32>
          %sub3A_386 = arith.constant 1.000000e+00 : f32
          %sub3A_387 = vector.broadcast %sub3A_386 : f32 to vector<16xf32>
          %sub3A_388 = arith.subf %sub3A_387, %sub3A_356 : vector<16xf32>
          %sub3A_389 = arith.constant 1.000000e+00 : f32
          %sub3A_390 = vector.broadcast %sub3A_389 : f32 to vector<16xf32>
          %sub3A_391 = arith.subf %sub3A_390, %sub3A_270 : vector<16xf32>
          %mul3A_392 = arith.mulf %sub3A_388, %sub3A_391 : vector<16xf32>
          %and3A_393 = arith.andi %and3A_363, %and3A_275 : vector<16xi1>
          %broadcast_in_dim3A_394 = arith.constant 1.000000e+00 : f32
          %broadcast_in_dim3A_395 = vector.broadcast %broadcast_in_dim3A_394 : f32 to vector<16xf32>
          %broadcast_in_dim3A_396 = arith.constant 0.000000e+00 : f32
          %broadcast_in_dim3A_397 = vector.broadcast %broadcast_in_dim3A_396 : f32 to vector<16xf32>
          %select_n3A_398 = arith.select %and3A_393, %broadcast_in_dim3A_395, %broadcast_in_dim3A_397 : vector<16xi1>, vector<16xf32>
          %mul3A_399 = arith.mulf %mul3A_392, %select_n3A_398 : vector<16xf32>
          %add3A_400 = arith.addi %mul3A_293, %min3A_376 : vector<16xi32>
          %gather3A = tpu.vector_load_idx %arg13[%add3A_400] : memref<11520xf32, #tpu.memory_space<vmem>>[vector<16xi32>], vector<16xf32>,
          %mul3A_401 = arith.mulf %mul3A_399, %gather3A : vector<16xf32>
          %add3A_402 = arith.addf %broadcast_in_dim3A_11, %mul3A_401 : vector<16xf32>
          %add3A_403 = arith.constant 5760 : i32
          %add3A_404 = vector.broadcast %add3A_403 : i32 to vector<16xi32>
          %add3A_405 = arith.addi %add3A_400, %add3A_404 : vector<16xi32>
          %gather3A_406 = tpu.vector_load_idx %arg13[%add3A_405] : memref<11520xf32, #tpu.memory_space<vmem>>[vector<16xi32>], vector<16xf32>,
          %mul3A_407 = arith.mulf %mul3A_399, %gather3A_406 : vector<16xf32>
          %add3A_408 = arith.addf %broadcast_in_dim3A_11, %mul3A_407 : vector<16xf32>
          %mul3A_409 = arith.mulf %sub3A_388, %sub3A_270 : vector<16xf32>
          %and3A_410 = arith.andi %and3A_363, %and3A_282 : vector<16xi1>
          %broadcast_in_dim3A_411 = arith.constant 1.000000e+00 : f32
          %broadcast_in_dim3A_412 = vector.broadcast %broadcast_in_dim3A_411 : f32 to vector<16xf32>
          %broadcast_in_dim3A_413 = arith.constant 0.000000e+00 : f32
          %broadcast_in_dim3A_414 = vector.broadcast %broadcast_in_dim3A_413 : f32 to vector<16xf32>
          %select_n3A_415 = arith.select %and3A_410, %broadcast_in_dim3A_412, %broadcast_in_dim3A_414 : vector<16xi1>, vector<16xf32>
          %mul3A_416 = arith.mulf %mul3A_409, %select_n3A_415 : vector<16xf32>
          %add3A_417 = arith.addi %mul3A_307, %min3A_376 : vector<16xi32>
          %gather3A_418 = tpu.vector_load_idx %arg13[%add3A_417] : memref<11520xf32, #tpu.memory_space<vmem>>[vector<16xi32>], vector<16xf32>,
          %mul3A_419 = arith.mulf %mul3A_416, %gather3A_418 : vector<16xf32>
          %add3A_420 = arith.addf %add3A_402, %mul3A_419 : vector<16xf32>
          %add3A_421 = arith.constant 5760 : i32
          %add3A_422 = vector.broadcast %add3A_421 : i32 to vector<16xi32>
          %add3A_423 = arith.addi %add3A_417, %add3A_422 : vector<16xi32>
          %gather3A_424 = tpu.vector_load_idx %arg13[%add3A_423] : memref<11520xf32, #tpu.memory_space<vmem>>[vector<16xi32>], vector<16xf32>,
          %mul3A_425 = arith.mulf %mul3A_416, %gather3A_424 : vector<16xf32>
          %add3A_426 = arith.addf %add3A_408, %mul3A_425 : vector<16xf32>
          %sub3A_427 = arith.constant 1.000000e+00 : f32
          %sub3A_428 = vector.broadcast %sub3A_427 : f32 to vector<16xf32>
          %sub3A_429 = arith.subf %sub3A_428, %sub3A_270 : vector<16xf32>
          %mul3A_430 = arith.mulf %sub3A_356, %sub3A_429 : vector<16xf32>
          %and3A_431 = arith.andi %and3A_370, %and3A_275 : vector<16xi1>
          %broadcast_in_dim3A_432 = arith.constant 1.000000e+00 : f32
          %broadcast_in_dim3A_433 = vector.broadcast %broadcast_in_dim3A_432 : f32 to vector<16xf32>
          %broadcast_in_dim3A_434 = arith.constant 0.000000e+00 : f32
          %broadcast_in_dim3A_435 = vector.broadcast %broadcast_in_dim3A_434 : f32 to vector<16xf32>
          %select_n3A_436 = arith.select %and3A_431, %broadcast_in_dim3A_433, %broadcast_in_dim3A_435 : vector<16xi1>, vector<16xf32>
          %mul3A_437 = arith.mulf %mul3A_430, %select_n3A_436 : vector<16xf32>
          %add3A_438 = arith.addi %mul3A_293, %min3A_385 : vector<16xi32>
          %gather3A_439 = tpu.vector_load_idx %arg13[%add3A_438] : memref<11520xf32, #tpu.memory_space<vmem>>[vector<16xi32>], vector<16xf32>,
          %mul3A_440 = arith.mulf %mul3A_437, %gather3A_439 : vector<16xf32>
          %add3A_441 = arith.addf %add3A_420, %mul3A_440 : vector<16xf32>
          %add3A_442 = arith.constant 5760 : i32
          %add3A_443 = vector.broadcast %add3A_442 : i32 to vector<16xi32>
          %add3A_444 = arith.addi %add3A_438, %add3A_443 : vector<16xi32>
          %gather3A_445 = tpu.vector_load_idx %arg13[%add3A_444] : memref<11520xf32, #tpu.memory_space<vmem>>[vector<16xi32>], vector<16xf32>,
          %mul3A_446 = arith.mulf %mul3A_437, %gather3A_445 : vector<16xf32>
          %add3A_447 = arith.addf %add3A_426, %mul3A_446 : vector<16xf32>
          %mul3A_448 = arith.mulf %sub3A_356, %sub3A_270 : vector<16xf32>
          %and3A_449 = arith.andi %and3A_370, %and3A_282 : vector<16xi1>
          %broadcast_in_dim3A_450 = arith.constant 1.000000e+00 : f32
          %broadcast_in_dim3A_451 = vector.broadcast %broadcast_in_dim3A_450 : f32 to vector<16xf32>
          %broadcast_in_dim3A_452 = arith.constant 0.000000e+00 : f32
          %broadcast_in_dim3A_453 = vector.broadcast %broadcast_in_dim3A_452 : f32 to vector<16xf32>
          %select_n3A_454 = arith.select %and3A_449, %broadcast_in_dim3A_451, %broadcast_in_dim3A_453 : vector<16xi1>, vector<16xf32>
          %mul3A_455 = arith.mulf %mul3A_448, %select_n3A_454 : vector<16xf32>
          %add3A_456 = arith.addi %mul3A_307, %min3A_385 : vector<16xi32>
          %gather3A_457 = tpu.vector_load_idx %arg13[%add3A_456] : memref<11520xf32, #tpu.memory_space<vmem>>[vector<16xi32>], vector<16xf32>,
          %mul3A_458 = arith.mulf %mul3A_455, %gather3A_457 : vector<16xf32>
          %add3A_459 = arith.addf %add3A_441, %mul3A_458 : vector<16xf32>
          %add3A_460 = arith.constant 5760 : i32
          %add3A_461 = vector.broadcast %add3A_460 : i32 to vector<16xi32>
          %add3A_462 = arith.addi %add3A_456, %add3A_461 : vector<16xi32>
          %gather3A_463 = tpu.vector_load_idx %arg13[%add3A_462] : memref<11520xf32, #tpu.memory_space<vmem>>[vector<16xi32>], vector<16xf32>,
          %mul3A_464 = arith.mulf %mul3A_455, %gather3A_463 : vector<16xf32>
          %add3A_465 = arith.addf %add3A_447, %mul3A_464 : vector<16xf32>
          %mul3A_466 = arith.constant 240 : i32
          %mul3A_467 = arith.muli %scan3A_231, %mul3A_466 : i32
          %mul3A_468 = arith.constant 16 : i32
          %mul3A_469 = arith.muli %scan3A_314, %mul3A_468 : i32
          %add3A_470 = arith.addi %mul3A_467, %mul3A_469 : i32
          %swap3A = arith.index_cast %add3A_470 : i32 to index
          %swap3A_471 = tpu.vector_load %arg12[%swap3A] {strides = array<i32>} : memref<7200xf32, #tpu.memory_space<vmem>>, vector<16xf32>,
          tpu.vector_store %arg12[%swap3A], %add3A_459 {strides = array<i32>} : memref<7200xf32, #tpu.memory_space<vmem>>, vector<16xf32>,
          %mul3A_472 = arith.constant 240 : i32
          %mul3A_473 = arith.muli %scan3A_231, %mul3A_472 : i32
          %add3A_474 = arith.constant 3600 : i32
          %add3A_475 = arith.addi %add3A_474, %mul3A_473 : i32
          %mul3A_476 = arith.constant 16 : i32
          %mul3A_477 = arith.muli %scan3A_314, %mul3A_476 : i32
          %add3A_478 = arith.addi %add3A_475, %mul3A_477 : i32
          %swap3A_479 = arith.index_cast %add3A_478 : i32 to index
          %swap3A_480 = tpu.vector_load %arg12[%swap3A_479] {strides = array<i32>} : memref<7200xf32, #tpu.memory_space<vmem>>, vector<16xf32>,
          tpu.vector_store %arg12[%swap3A_479], %add3A_465 {strides = array<i32>} : memref<7200xf32, #tpu.memory_space<vmem>>, vector<16xf32>,
        }
        %scan3A_313 = arith.constant 15 : i32
      }
      %scan3A_186 = arith.constant 15 : i32
      %mul3A_187 = arith.constant 240 : i32
      %mul3A_188 = arith.muli %mul3A_121, %mul3A_187 : i32
      %add3A_189 = arith.constant 0 : i32
      %add3A_190 = arith.addi %add3A_189, %mul3A_188 : i32
      "tpu.region"() ({
        %run_scoped3A = tpu.sem_alloc : memref<!tpu.dma_semaphore, #tpu.memory_space<semaphore_mem>>
        %dma_start3A = tpu.memref_slice %arg4[%add3A_190] : memref<230400xf32, #tpu.memory_space<hbm>> -> memref<3600xf32, #tpu.memory_space<hbm>>
        %dma_start3A_231 = tpu.memref_slice %arg4[%add3A_190] : memref<230400xf32, #tpu.memory_space<hbm>> -> memref<3600xf32, #tpu.memory_space<hbm>>
        tpu.enqueue_dma source(%dma_start3A_231 : memref<3600xf32, #tpu.memory_space<hbm>>) target(%arg14 : memref<3600xf32, #tpu.memory_space<vmem>>) target_semaphore(%run_scoped3A : memref<!tpu.dma_semaphore, #tpu.memory_space<semaphore_mem>>)
        %dma_wait3A = tpu.memref_slice %arg4[%add3A_190] : memref<230400xf32, #tpu.memory_space<hbm>> -> memref<3600xf32, #tpu.memory_space<hbm>>
        %dma_wait3A_232 = tpu.memref_slice %arg4[%add3A_190] : memref<230400xf32, #tpu.memory_space<hbm>> -> memref<3600xf32, #tpu.memory_space<hbm>>
        tpu.wait_dma2 semaphore(%run_scoped3A : memref<!tpu.dma_semaphore, #tpu.memory_space<semaphore_mem>>) src(%dma_wait3A_232 : memref<3600xf32, #tpu.memory_space<hbm>>) dst(%arg14 : memref<3600xf32, #tpu.memory_space<vmem>>)
        tpu.yield
      }) : () -> ()
      %scan3A_191 = arith.constant 0 : i32
      %scan3A_192 = arith.constant 0 : i32
      %scan3A_193 = arith.constant 225 : i32
      %scan3A_194 = arith.addi %scan3A_192, %scan3A_193 : i32
      %scan3A_195 = arith.constant 1 : i32
      scf.for %scan3A_231 = %scan3A_192 to %scan3A_194 step %scan3A_195  : i32 {
        %mul3A_232 = arith.constant 16 : i32
        %mul3A_233 = arith.muli %scan3A_231, %mul3A_232 : i32
        %add3A_234 = arith.constant 0 : i32
        %add3A_235 = arith.addi %add3A_234, %mul3A_233 : i32
        %mul3A_236 = arith.constant 16 : i32
        %mul3A_237 = arith.muli %scan3A_231, %mul3A_236 : i32
        %get3A_238 = arith.index_cast %add3A_235 : i32 to index
        %get3A_239 = tpu.vector_load %arg12[%get3A_238] {strides = array<i32>} : memref<7200xf32, #tpu.memory_space<vmem>>, vector<16xf32>,
        %get3A_240 = arith.index_cast %mul3A_237 : i32 to index
        %get3A_241 = tpu.vector_load %arg14[%get3A_240] {strides = array<i32>} : memref<3600xf32, #tpu.memory_space<vmem>>, vector<16xf32>,
        %max3A_242 = arith.maximumf %get3A_239, %get3A_241 : vector<16xf32>
        %swap3A = arith.index_cast %add3A_235 : i32 to index
        %swap3A_243 = tpu.vector_load %arg12[%swap3A] {strides = array<i32>} : memref<7200xf32, #tpu.memory_space<vmem>>, vector<16xf32>,
        tpu.vector_store %arg12[%swap3A], %max3A_242 {strides = array<i32>} : memref<7200xf32, #tpu.memory_space<vmem>>, vector<16xf32>,
      }
      %scan3A_196 = arith.constant 225 : i32
      %mul3A_197 = arith.constant 240 : i32
      %mul3A_198 = arith.muli %mul3A_121, %mul3A_197 : i32
      %add3A_199 = arith.constant 0 : i32
      %add3A_200 = arith.addi %add3A_199, %mul3A_198 : i32
      "tpu.region"() ({
        %run_scoped3A = tpu.sem_alloc : memref<!tpu.dma_semaphore, #tpu.memory_space<semaphore_mem>>
        %dma_start3A = arith.constant 0 : i32
        %dma_start3A_231 = tpu.memref_slice %arg12[%dma_start3A] : memref<7200xf32, #tpu.memory_space<vmem>> -> memref<3600xf32, #tpu.memory_space<vmem>>
        %dma_start3A_232 = tpu.memref_slice %arg6[%add3A_200] : memref<230400xf32, #tpu.memory_space<hbm>> -> memref<3600xf32, #tpu.memory_space<hbm>>
        %dma_start3A_233 = tpu.memref_slice %arg6[%add3A_200] : memref<230400xf32, #tpu.memory_space<hbm>> -> memref<3600xf32, #tpu.memory_space<hbm>>
        %dma_start3A_234 = arith.constant 0 : i32
        %dma_start3A_235 = tpu.memref_slice %arg12[%dma_start3A_234] : memref<7200xf32, #tpu.memory_space<vmem>> -> memref<3600xf32, #tpu.memory_space<vmem>>
        tpu.enqueue_dma source(%dma_start3A_235 : memref<3600xf32, #tpu.memory_space<vmem>>) target(%dma_start3A_233 : memref<3600xf32, #tpu.memory_space<hbm>>) target_semaphore(%run_scoped3A : memref<!tpu.dma_semaphore, #tpu.memory_space<semaphore_mem>>)
        %dma_wait3A = arith.constant 0 : i32
        %dma_wait3A_236 = tpu.memref_slice %arg12[%dma_wait3A] : memref<7200xf32, #tpu.memory_space<vmem>> -> memref<3600xf32, #tpu.memory_space<vmem>>
        %dma_wait3A_237 = tpu.memref_slice %arg6[%add3A_200] : memref<230400xf32, #tpu.memory_space<hbm>> -> memref<3600xf32, #tpu.memory_space<hbm>>
        %dma_wait3A_238 = tpu.memref_slice %arg6[%add3A_200] : memref<230400xf32, #tpu.memory_space<hbm>> -> memref<3600xf32, #tpu.memory_space<hbm>>
        %dma_wait3A_239 = arith.constant 0 : i32
        %dma_wait3A_240 = tpu.memref_slice %arg12[%dma_wait3A_239] : memref<7200xf32, #tpu.memory_space<vmem>> -> memref<3600xf32, #tpu.memory_space<vmem>>
        tpu.wait_dma2 semaphore(%run_scoped3A : memref<!tpu.dma_semaphore, #tpu.memory_space<semaphore_mem>>) src(%dma_wait3A_240 : memref<3600xf32, #tpu.memory_space<vmem>>) dst(%dma_wait3A_238 : memref<3600xf32, #tpu.memory_space<hbm>>)
        tpu.yield
      }) : () -> ()
      %mul3A_201 = arith.constant 240 : i32
      %mul3A_202 = arith.muli %mul3A_121, %mul3A_201 : i32
      %add3A_203 = arith.constant 57600 : i32
      %add3A_204 = arith.addi %add3A_203, %mul3A_202 : i32
      "tpu.region"() ({
        %run_scoped3A = tpu.sem_alloc : memref<!tpu.dma_semaphore, #tpu.memory_space<semaphore_mem>>
        %dma_start3A = tpu.memref_slice %arg4[%add3A_204] : memref<230400xf32, #tpu.memory_space<hbm>> -> memref<3600xf32, #tpu.memory_space<hbm>>
        %dma_start3A_231 = tpu.memref_slice %arg4[%add3A_204] : memref<230400xf32, #tpu.memory_space<hbm>> -> memref<3600xf32, #tpu.memory_space<hbm>>
        tpu.enqueue_dma source(%dma_start3A_231 : memref<3600xf32, #tpu.memory_space<hbm>>) target(%arg14 : memref<3600xf32, #tpu.memory_space<vmem>>) target_semaphore(%run_scoped3A : memref<!tpu.dma_semaphore, #tpu.memory_space<semaphore_mem>>)
        %dma_wait3A = tpu.memref_slice %arg4[%add3A_204] : memref<230400xf32, #tpu.memory_space<hbm>> -> memref<3600xf32, #tpu.memory_space<hbm>>
        %dma_wait3A_232 = tpu.memref_slice %arg4[%add3A_204] : memref<230400xf32, #tpu.memory_space<hbm>> -> memref<3600xf32, #tpu.memory_space<hbm>>
        tpu.wait_dma2 semaphore(%run_scoped3A : memref<!tpu.dma_semaphore, #tpu.memory_space<semaphore_mem>>) src(%dma_wait3A_232 : memref<3600xf32, #tpu.memory_space<hbm>>) dst(%arg14 : memref<3600xf32, #tpu.memory_space<vmem>>)
        tpu.yield
      }) : () -> ()
      %scan3A_205 = arith.constant 0 : i32
      %scan3A_206 = arith.constant 0 : i32
      %scan3A_207 = arith.constant 225 : i32
      %scan3A_208 = arith.addi %scan3A_206, %scan3A_207 : i32
      %scan3A_209 = arith.constant 1 : i32
      scf.for %scan3A_231 = %scan3A_206 to %scan3A_208 step %scan3A_209  : i32 {
        %mul3A_232 = arith.constant 16 : i32
        %mul3A_233 = arith.muli %scan3A_231, %mul3A_232 : i32
        %add3A_234 = arith.constant 3600 : i32
        %add3A_235 = arith.addi %add3A_234, %mul3A_233 : i32
        %mul3A_236 = arith.constant 16 : i32
        %mul3A_237 = arith.muli %scan3A_231, %mul3A_236 : i32
        %get3A_238 = arith.index_cast %add3A_235 : i32 to index
        %get3A_239 = tpu.vector_load %arg12[%get3A_238] {strides = array<i32>} : memref<7200xf32, #tpu.memory_space<vmem>>, vector<16xf32>,
        %get3A_240 = arith.index_cast %mul3A_237 : i32 to index
        %get3A_241 = tpu.vector_load %arg14[%get3A_240] {strides = array<i32>} : memref<3600xf32, #tpu.memory_space<vmem>>, vector<16xf32>,
        %max3A_242 = arith.maximumf %get3A_239, %get3A_241 : vector<16xf32>
        %swap3A = arith.index_cast %add3A_235 : i32 to index
        %swap3A_243 = tpu.vector_load %arg12[%swap3A] {strides = array<i32>} : memref<7200xf32, #tpu.memory_space<vmem>>, vector<16xf32>,
        tpu.vector_store %arg12[%swap3A], %max3A_242 {strides = array<i32>} : memref<7200xf32, #tpu.memory_space<vmem>>, vector<16xf32>,
      }
      %scan3A_210 = arith.constant 225 : i32
      %mul3A_211 = arith.constant 240 : i32
      %mul3A_212 = arith.muli %mul3A_121, %mul3A_211 : i32
      %add3A_213 = arith.constant 57600 : i32
      %add3A_214 = arith.addi %add3A_213, %mul3A_212 : i32
      "tpu.region"() ({
        %run_scoped3A = tpu.sem_alloc : memref<!tpu.dma_semaphore, #tpu.memory_space<semaphore_mem>>
        %dma_start3A = arith.constant 3600 : i32
        %dma_start3A_231 = tpu.memref_slice %arg12[%dma_start3A] : memref<7200xf32, #tpu.memory_space<vmem>> -> memref<3600xf32, #tpu.memory_space<vmem>>
        %dma_start3A_232 = tpu.memref_slice %arg6[%add3A_214] : memref<230400xf32, #tpu.memory_space<hbm>> -> memref<3600xf32, #tpu.memory_space<hbm>>
        %dma_start3A_233 = tpu.memref_slice %arg6[%add3A_214] : memref<230400xf32, #tpu.memory_space<hbm>> -> memref<3600xf32, #tpu.memory_space<hbm>>
        %dma_start3A_234 = arith.constant 3600 : i32
        %dma_start3A_235 = tpu.memref_slice %arg12[%dma_start3A_234] : memref<7200xf32, #tpu.memory_space<vmem>> -> memref<3600xf32, #tpu.memory_space<vmem>>
        tpu.enqueue_dma source(%dma_start3A_235 : memref<3600xf32, #tpu.memory_space<vmem>>) target(%dma_start3A_233 : memref<3600xf32, #tpu.memory_space<hbm>>) target_semaphore(%run_scoped3A : memref<!tpu.dma_semaphore, #tpu.memory_space<semaphore_mem>>)
        %dma_wait3A = arith.constant 3600 : i32
        %dma_wait3A_236 = tpu.memref_slice %arg12[%dma_wait3A] : memref<7200xf32, #tpu.memory_space<vmem>> -> memref<3600xf32, #tpu.memory_space<vmem>>
        %dma_wait3A_237 = tpu.memref_slice %arg6[%add3A_214] : memref<230400xf32, #tpu.memory_space<hbm>> -> memref<3600xf32, #tpu.memory_space<hbm>>
        %dma_wait3A_238 = tpu.memref_slice %arg6[%add3A_214] : memref<230400xf32, #tpu.memory_space<hbm>> -> memref<3600xf32, #tpu.memory_space<hbm>>
        %dma_wait3A_239 = arith.constant 3600 : i32
        %dma_wait3A_240 = tpu.memref_slice %arg12[%dma_wait3A_239] : memref<7200xf32, #tpu.memory_space<vmem>> -> memref<3600xf32, #tpu.memory_space<vmem>>
        tpu.wait_dma2 semaphore(%run_scoped3A : memref<!tpu.dma_semaphore, #tpu.memory_space<semaphore_mem>>) src(%dma_wait3A_240 : memref<3600xf32, #tpu.memory_space<vmem>>) dst(%dma_wait3A_238 : memref<3600xf32, #tpu.memory_space<hbm>>)
        tpu.yield
      }) : () -> ()
      %mul3A_215 = arith.constant 240 : i32
      %mul3A_216 = arith.muli %mul3A_121, %mul3A_215 : i32
      %add3A_217 = arith.constant 115200 : i32
      %add3A_218 = arith.addi %add3A_217, %mul3A_216 : i32
      "tpu.region"() ({
        %run_scoped3A = tpu.sem_alloc : memref<!tpu.dma_semaphore, #tpu.memory_space<semaphore_mem>>
        %dma_start3A = tpu.memref_slice %arg4[%add3A_218] : memref<230400xf32, #tpu.memory_space<hbm>> -> memref<3600xf32, #tpu.memory_space<hbm>>
        %dma_start3A_231 = tpu.memref_slice %arg4[%add3A_218] : memref<230400xf32, #tpu.memory_space<hbm>> -> memref<3600xf32, #tpu.memory_space<hbm>>
        tpu.enqueue_dma source(%dma_start3A_231 : memref<3600xf32, #tpu.memory_space<hbm>>) target(%arg14 : memref<3600xf32, #tpu.memory_space<vmem>>) target_semaphore(%run_scoped3A : memref<!tpu.dma_semaphore, #tpu.memory_space<semaphore_mem>>)
        %dma_wait3A = tpu.memref_slice %arg4[%add3A_218] : memref<230400xf32, #tpu.memory_space<hbm>> -> memref<3600xf32, #tpu.memory_space<hbm>>
        %dma_wait3A_232 = tpu.memref_slice %arg4[%add3A_218] : memref<230400xf32, #tpu.memory_space<hbm>> -> memref<3600xf32, #tpu.memory_space<hbm>>
        tpu.wait_dma2 semaphore(%run_scoped3A : memref<!tpu.dma_semaphore, #tpu.memory_space<semaphore_mem>>) src(%dma_wait3A_232 : memref<3600xf32, #tpu.memory_space<hbm>>) dst(%arg14 : memref<3600xf32, #tpu.memory_space<vmem>>)
        tpu.yield
      }) : () -> ()
      %mul3A_219 = arith.constant 240 : i32
      %mul3A_220 = arith.muli %mul3A_121, %mul3A_219 : i32
      %add3A_221 = arith.constant 115200 : i32
      %add3A_222 = arith.addi %add3A_221, %mul3A_220 : i32
      "tpu.region"() ({
        %run_scoped3A = tpu.sem_alloc : memref<!tpu.dma_semaphore, #tpu.memory_space<semaphore_mem>>
        %dma_start3A = tpu.memref_slice %arg6[%add3A_222] : memref<230400xf32, #tpu.memory_space<hbm>> -> memref<3600xf32, #tpu.memory_space<hbm>>
        %dma_start3A_231 = tpu.memref_slice %arg6[%add3A_222] : memref<230400xf32, #tpu.memory_space<hbm>> -> memref<3600xf32, #tpu.memory_space<hbm>>
        tpu.enqueue_dma source(%arg14 : memref<3600xf32, #tpu.memory_space<vmem>>) target(%dma_start3A_231 : memref<3600xf32, #tpu.memory_space<hbm>>) target_semaphore(%run_scoped3A : memref<!tpu.dma_semaphore, #tpu.memory_space<semaphore_mem>>)
        %dma_wait3A = tpu.memref_slice %arg6[%add3A_222] : memref<230400xf32, #tpu.memory_space<hbm>> -> memref<3600xf32, #tpu.memory_space<hbm>>
        %dma_wait3A_232 = tpu.memref_slice %arg6[%add3A_222] : memref<230400xf32, #tpu.memory_space<hbm>> -> memref<3600xf32, #tpu.memory_space<hbm>>
        tpu.wait_dma2 semaphore(%run_scoped3A : memref<!tpu.dma_semaphore, #tpu.memory_space<semaphore_mem>>) src(%arg14 : memref<3600xf32, #tpu.memory_space<vmem>>) dst(%dma_wait3A_232 : memref<3600xf32, #tpu.memory_space<hbm>>)
        tpu.yield
      }) : () -> ()
      %mul3A_223 = arith.constant 240 : i32
      %mul3A_224 = arith.muli %mul3A_121, %mul3A_223 : i32
      %add3A_225 = arith.constant 172800 : i32
      %add3A_226 = arith.addi %add3A_225, %mul3A_224 : i32
      "tpu.region"() ({
        %run_scoped3A = tpu.sem_alloc : memref<!tpu.dma_semaphore, #tpu.memory_space<semaphore_mem>>
        %dma_start3A = tpu.memref_slice %arg4[%add3A_226] : memref<230400xf32, #tpu.memory_space<hbm>> -> memref<3600xf32, #tpu.memory_space<hbm>>
        %dma_start3A_231 = tpu.memref_slice %arg4[%add3A_226] : memref<230400xf32, #tpu.memory_space<hbm>> -> memref<3600xf32, #tpu.memory_space<hbm>>
        tpu.enqueue_dma source(%dma_start3A_231 : memref<3600xf32, #tpu.memory_space<hbm>>) target(%arg14 : memref<3600xf32, #tpu.memory_space<vmem>>) target_semaphore(%run_scoped3A : memref<!tpu.dma_semaphore, #tpu.memory_space<semaphore_mem>>)
        %dma_wait3A = tpu.memref_slice %arg4[%add3A_226] : memref<230400xf32, #tpu.memory_space<hbm>> -> memref<3600xf32, #tpu.memory_space<hbm>>
        %dma_wait3A_232 = tpu.memref_slice %arg4[%add3A_226] : memref<230400xf32, #tpu.memory_space<hbm>> -> memref<3600xf32, #tpu.memory_space<hbm>>
        tpu.wait_dma2 semaphore(%run_scoped3A : memref<!tpu.dma_semaphore, #tpu.memory_space<semaphore_mem>>) src(%dma_wait3A_232 : memref<3600xf32, #tpu.memory_space<hbm>>) dst(%arg14 : memref<3600xf32, #tpu.memory_space<vmem>>)
        tpu.yield
      }) : () -> ()
      %mul3A_227 = arith.constant 240 : i32
      %mul3A_228 = arith.muli %mul3A_121, %mul3A_227 : i32
      %add3A_229 = arith.constant 172800 : i32
      %add3A_230 = arith.addi %add3A_229, %mul3A_228 : i32
      "tpu.region"() ({
        %run_scoped3A = tpu.sem_alloc : memref<!tpu.dma_semaphore, #tpu.memory_space<semaphore_mem>>
        %dma_start3A = tpu.memref_slice %arg6[%add3A_230] : memref<230400xf32, #tpu.memory_space<hbm>> -> memref<3600xf32, #tpu.memory_space<hbm>>
        %dma_start3A_231 = tpu.memref_slice %arg6[%add3A_230] : memref<230400xf32, #tpu.memory_space<hbm>> -> memref<3600xf32, #tpu.memory_space<hbm>>
        tpu.enqueue_dma source(%arg14 : memref<3600xf32, #tpu.memory_space<vmem>>) target(%dma_start3A_231 : memref<3600xf32, #tpu.memory_space<hbm>>) target_semaphore(%run_scoped3A : memref<!tpu.dma_semaphore, #tpu.memory_space<semaphore_mem>>)
        %dma_wait3A = tpu.memref_slice %arg6[%add3A_230] : memref<230400xf32, #tpu.memory_space<hbm>> -> memref<3600xf32, #tpu.memory_space<hbm>>
        %dma_wait3A_232 = tpu.memref_slice %arg6[%add3A_230] : memref<230400xf32, #tpu.memory_space<hbm>> -> memref<3600xf32, #tpu.memory_space<hbm>>
        tpu.wait_dma2 semaphore(%run_scoped3A : memref<!tpu.dma_semaphore, #tpu.memory_space<semaphore_mem>>) src(%arg14 : memref<3600xf32, #tpu.memory_space<vmem>>) dst(%dma_wait3A_232 : memref<3600xf32, #tpu.memory_space<hbm>>)
        tpu.yield
      }) : () -> ()
    } else {
    }
    return
  }
}

</mosaic_0001>

<sc_bundles>
// kernel: kernel.3.cloned.1.call-start
scs
__scs_entry_jumppad:
0x0: {  	(pc) =	sbr.rel $0x88, $3  }
0x1: {  	(tag) =	ssettag $0x0;
	lr =	simm.s32 $0x1  }
0x2: {  	[smem:$0x3F9C] =	sst lr;
	_ =	strace $0xD0000000  }
0x3: {  	_ = 	snop  }
0x4: {  	_ = 	snop  }
0x5: {  	_ = 	snop  }
0x6: {  	_ = 	snop  }
0x7: {  	_ = 	snop  }
__scs_overlays_trampoline_lowered:
0x8: {  	[smem:$0x3FAB] =	sst s0  }
0x9: {  	[smem:$0x3FAC] =	sst s1  }
0xa: {  	[smem:$0x3FAD] =	sst s2  }
0xb: {  	[smem:$0x3FAE] =	sst s3  }
0xc: {  	[smem:$0x3FAF] =	sst s4  }
0xd: {  	[smem:$0x3FB0] =	sst s5  }
0xe: {  	[smem:$0x3FB1] =	sst s6  }
0xf: {  	[smem:$0x3FB2] =	sst s7  }
0x10: {  	[smem:$0x3FB3] =	sst s8  }
0x11: {  	[smem:$0x3FB4] =	sst s9;
	s0 =	simm.s32 @!p0 $0x0  }
0x12: {  	s1 =	sld [smem:$0x3F9A];
	s0 =	simm.s32 @p0 $0x1  }
0x13: {  	[smem:$0x3FB5] =	sst s0;
	s0 =	simm.s32 @!p1 $0x0  }
0x14: {  	s2 =	sld [smem:$0x3F99];
	s0 =	simm.s32 @p1 $0x1  }
0x15: {  	[smem:$0x3FB6] =	sst s0;
	s0 =	simm.s32 @!p2 $0x0  }
0x16: {  	s3 =	sld [smem:$0x3FDB];
	s0 =	simm.s32 @p2 $0x1  }
0x17: {  	s4 =	simm.s32 $0x1BF5;
	[smem:$0x3FB8] =	sst s0  }
0x18: {  	s0 =	sld [smem:$0x3F9B];
	_ =	swait.ge [sflag:s4], $0x0  }
0x19: {  	s7 =	sld [smem:$0x3F9C]  }
0x1a: {  	s8 =	sadd.s32 $0xFFFFE003, lr  }
0x1b: {  	s9 =	sadd.s32 $0xFFFFFEF7, lr;
	s5 =	simm.s32 $0xFFFFFFFF;
	p2 =	slt.u32 s8, $0xFFFFF086  }
0x1c: {  	p1 =	slt.u32 s9, $0xF7A;
	s5 =	simm.s32 @!p2 $0x0  }
0x1d: {  	s5 =	simm.s32 @p1 $0x1;
	p0 =	seq.s32 s7, s2  }
0x1e: {  	s7 =	smul.u32 @!p0 $0xF7A, s2;
	p2 =	seq.s32 @!p0 s5, $0x0  }
0x1f: {  	s9 =	smul.u32 $0xF7A, s1;
	s8 =	simm.s32 @!p0 $0x1BF5;
	p2 =	por !p2, p0  }
0x20: {  	[sflag:s8] =	ssyncset.s32 @!p0 $0xFFFFF086;
	s6 =	sadd.s32 @!p0 s3, s7;
	s7 =	simm.s32 @!p0 $0x108  }
0x21: {  	s3 =	sadd.s32 s3, s9;
	s6 =	sadd.s32 @!p0 $0x88, s6;
	s7 =	simm.s32 @p2 $0x1082  }
0x22: {  	[simem:s7], [sflag:s8] =	dma.local @!p0 [hbm:s6], $0xF7A  }
0x23: {  	s9 =	sor.u32 $0xD0000000, s2;
	s6 =	simm.s32 $0x108;
	_ =	swait.ge @!p0 [sflag:s8], $0x0  }
0x24: {  	s3 =	sadd.s32 $0x88, s3;
	s6 =	simm.s32 @!p1 $0x1082;
	[sflag:s4] =	ssyncset.s32 $0xFFFFF086  }
0x25: {  	[simem:s6], [sflag:s4] =	dma.local [hbm:s3], $0xF7A  }
0x26: {  	[smem:$0x3F9C] =	sst s1;
	(tag) =	ssettag s2;
	_ =	strace s9  }
0x27: {  	s1 =	sld [smem:$0x3FAC]  }
0x28: {  	s2 =	sld [smem:$0x3FAD]  }
0x29: {  	s4 =	sld [smem:$0x3FAF]  }
0x2a: {  	p0 =	seq.s32 s5, $0x0;
	s5 =	sld [smem:$0x3FB0]  }
0x2b: {  	s6 =	sld [smem:$0x3FB1]  }
0x2c: {  	s7 =	sld [smem:$0x3FB2]  }
0x2d: {  	s3 =	simm.s32 $0x108;
	s8 =	sld [smem:$0x3FB3]  }
0x2e: {  	s3 =	simm.s32 @!p0 $0x1082;
	s9 =	sld [smem:$0x3FB4]  }
0x2f: {  	lr =	sadd.s32 s0, s3;
	s0 =	sld [smem:$0x3FAB]  }
0x30: {  	s3 =	sld [smem:$0x3FAE]  }
0x31: {  	[smem:$0x3FB7] =	sst s10  }
0x32: {  	s10 =	sld [smem:$0x3FB5];
	_ =	sdelay $0x3  }
0x33: {  	p0 =	seq.s32 s10, $0x1;
	s10 =	sld [smem:$0x3FB7];
	_ =	sdelay $0x3  }
0x34: {  	[smem:$0x3FB7] =	sst s10  }
0x35: {  	s10 =	sld [smem:$0x3FB6];
	_ =	sdelay $0x3  }
0x36: {  	p1 =	seq.s32 s10, $0x1;
	s10 =	sld [smem:$0x3FB7];
	_ =	sdelay $0x3  }
0x37: {  	[smem:$0x3FB7] =	sst s10  }
0x38: {  	s10 =	sld [smem:$0x3FB8]  }
0x39: {  	_ = 	snop;
	(pc) =	sbr.ind lr, $3  }
0x3a: {  	_ = 	snop  }
0x3b: {  	_ = 	snop  }
0x3c: {  	p2 =	seq.s32 s10, $0x1;
	s10 =	sld [smem:$0x3FB7]  }
0x3d: {  	_ =	shalt  }
0x3e: {  	_ =	shalt  }
0x3f: {  	_ =	shalt  }
0x40: {  	_ =	shalt  }
0x41: {  	_ =	shalt  }
0x42: {  	_ =	shalt  }
0x43: {  	_ =	shalt  }
0x44: {  	_ =	shalt  }
0x45: {  	_ =	shalt  }
0x46: {  	_ =	shalt  }
0x47: {  	_ =	shalt  }
0x48: {  	_ =	shalt  }
0x49: {  	_ =	shalt  }
0x4a: {  	_ =	shalt  }
0x4b: {  	_ =	shalt  }
0x4c: {  	_ =	shalt  }
0x4d: {  	_ =	shalt  }
0x4e: {  	_ =	shalt  }
0x4f: {  	_ =	shalt  }
0x50: {  	_ =	shalt  }
0x51: {  	_ =	shalt  }
0x52: {  	_ =	shalt  }
0x53: {  	_ =	shalt  }
0x54: {  	_ =	shalt  }
0x55: {  	_ =	shalt  }
0x56: {  	_ =	shalt  }
0x57: {  	_ =	shalt  }
0x58: {  	_ =	shalt  }
0x59: {  	_ =	shalt  }
0x5a: {  	_ =	shalt  }
0x5b: {  	_ =	shalt  }
0x5c: {  	_ =	shalt  }
0x5d: {  	_ =	shalt  }
0x5e: {  	_ =	shalt  }
0x5f: {  	_ =	shalt  }
0x60: {  	_ =	shalt  }
0x61: {  	_ =	shalt  }
0x62: {  	_ =	shalt  }
0x63: {  	_ =	shalt  }
0x64: {  	_ =	shalt  }
0x65: {  	_ =	shalt  }
0x66: {  	_ =	shalt  }
0x67: {  	_ =	shalt  }
0x68: {  	_ =	shalt  }
0x69: {  	_ =	shalt  }
0x6a: {  	_ =	shalt  }
0x6b: {  	_ =	shalt  }
0x6c: {  	_ =	shalt  }
0x6d: {  	_ =	shalt  }
0x6e: {  	_ =	shalt  }
0x6f: {  	_ =	shalt  }
0x70: {  	_ =	shalt  }
0x71: {  	_ =	shalt  }
0x72: {  	_ =	shalt  }
0x73: {  	_ =	shalt  }
0x74: {  	_ =	shalt  }
0x75: {  	_ =	shalt  }
0x76: {  	_ =	shalt  }
0x77: {  	_ =	shalt  }
0x78: {  	_ =	shalt  }
0x79: {  	_ =	shalt  }
0x7a: {  	_ =	shalt  }
0x7b: {  	_ =	shalt  }
0x7c: {  	_ =	shalt  }
0x7d: {  	_ =	shalt  }
0x7e: {  	_ =	shalt  }
0x7f: {  	_ =	shalt  }
0x80: {  	_ =	shalt  }
0x81: {  	_ =	shalt  }
0x82: {  	_ =	shalt  }
0x83: {  	_ =	shalt  }
0x84: {  	_ =	shalt  }
0x85: {  	_ =	shalt  }
0x86: {  	_ =	shalt  }
0x87: {  	_ =	shalt  }
.Lfunc_end0:
.L_simem_size_0:
called_computation_lowered:
.L_overlay_start_0:
0x88: {  	s2 =	sld [smem:$0x3FD9]  }
0x89: {  	s3 =	sld [smem:$0x3FFE];
	_ =	sdelay $0x1  }
0x8a: {  	s1 =	srdreg.scid  }
0x8b: {  	s0 =	sand.u32 $0x1, s1  }
0x8c: {  	s14 =	sshll.u32 s0, $0xA;
	s2 =	sadd.s32 s3, s2  }
0x8d: {  	s2 =	sadd.s32 s2, s14  }
0x8e: {  	[smem:$0x3FC3] =	sst s2  }
0x8f: {  	_ = 	snop  }
0x90: {  	s2 =	sld [smem:$0x3FD0];
	_ =	sdelay $0x2  }
0x91: {  	s15 =	simm.s32 $0xA;
	s4 =	simm.s32 $0x10  }
0x92: {  	[smem:s4], [sflag:s15] =	dma.local [hbm:s2], $0x1  }
0x93: {  	_ =	swait.eq [sflag:s15], $0x1  }
0x94: {  	[sflag:s15] =	ssyncset.done $0x0  }
0x95: {  	s16 =	sld [smem:$0x10];
	[sflag:s15] =	ssyncadd.s32 $0xFFFFFFFF  }
0x96: {  	s17 =	sld [smem:$0x11];
	(tm) =	ssettm $0x1  }
0x97: {  	s18 =	sld [smem:$0x3FFB];
	_ =	sdelay $0x3  }
0x98: {  	_ =	strace s18  }
0x99: {  	s4 =	sld [smem:$0x3FFC];
	_ =	sdelay $0x3  }
0x9a: {  	_ =	strace s4  }
0x9b: {  	s4 =	sld [smem:$0x3FFD];
	_ =	sdelay $0x3  }
0x9c: {  	_ =	strace s4  }
0x9d: {  	_ =	strace $0x8FFFFFFF  }
0x9e: {  	s19 =	sld [smem:$0x3FDB];
	_ =	sdelay $0x1  }
0x9f: {  	s5 =	simm.s32 $_scs_section_size  }
0xa0: {  	s6 =	simm.s32 $_size__tile_overlayer_lowered;
	s7 =	simm.s32 $_tile_overlayer_lowered  }
0xa1: {  	s22 =	simm.s32 $0x1BFF;
	s21 =	sshll.u32 s7, $0x1;
	s4 =	sadd.s32 s5, s19  }
0xa2: {  	s8 =	simm.s32 $0x0;
	s20 =	sshll.u32 s6, $0x1;
	s6 =	sadd.s32 s21, s4  }
0xa3: {  	[timem:s8], [sflag:s22] =	dma.local [hbm:s6], s20  }
0xa4: {  	_ =	swait.ge [sflag:s22], s20  }
0xa5: {  	s5 =	ssub.s32 $0x0, s20;
	[sflag:s22] =	ssyncset.done $0x0  }
0xa6: {  	[sflag:s22] =	ssyncadd.s32 s5;
	_ =	sdelay $0x1  }
0xa7: {  	s23 =	simm.s32 $0x1B8B  }
0xa8: {  	_ =	swait.ge [sflag:s23], $0x1  }
0xa9: {  	[sflag:s23] =	ssyncset.done $0x0  }
0xaa: {  	s25 =	simm.s32 $0x1B8E;
	s24 =	sld [smem:$0x3FFE];
	[sflag:s23] =	ssyncadd.s32 $0xFFFFFFFF  }
0xab: {  	s26 =	simm.s32 $execute0_lowered;
	[smem:$0x3FD2] =	sst s25  }
0xac: {  	s6 =	sshll.u32 s26, $0x1;
	_ =	strace $0x80000046;
	[dreg:$0x1] =	wrdreg $0xFFFFFFFF  }
0xad: {  	s28 =	simm.s32 $_size_execute0_lowered;
	s4 =	sadd.s32 s4, s6;
	[dreg:$0x0] =	wrdreg $0x0  }
0xae: {  	s6 =	sshll.u32 s28, $0x1;
	[dreg:$0x2] =	wrdreg s4  }
0xaf: {  	[dreg:$0x3] =	wrdreg s6  }
0xb0: {  	[dreg:$0x4] =	wrdreg $0xC0  }
0xb1: {  	_ =	task [dreg:s8], $0x5FFFF  }
0xb2: {  	[dreg:$0x1] =	wrdreg $0xFFFFFFFF  }
0xb3: {  	[dreg:$0x0] =	wrdreg $0x60  }
0xb4: {  	[dreg:$0x2] =	wrdreg s24  }
0xb5: {  	[dreg:$0x3] =	wrdreg s17  }
0xb6: {  	[dreg:$0x4] =	wrdreg s16  }
0xb7: {  	[dreg:$0x5] =	wrdreg $0x143800  }
0xb8: {  	[dreg:$0x6] =	wrdreg $0x193800  }
0xb9: {  	[dreg:$0x7] =	wrdreg $0x198800  }
0xba: {  	[dreg:$0x8] =	wrdreg $0x9  }
0xbb: {  	_ =	task.clear_ibuf [dreg:s8], $0x9FFFF;
	_ =	strace $0x90000046  }
0xbc: {  	s29 =	simm.s32 $0x9;
	_ =	strace $0x80000048  }
0xbd: {  	_ =	swait.ge [sflag:s29], $0x1  }
0xbe: {  	[sflag:s29] =	ssyncadd.s32 $0xFFFFFFFF  }
0xbf: {  	_ =	strace $0x90000048  }
0xc0: {  	_ =	sfence  }
0xc1: {  	s30 =	sld [smem:$0x0];
	_ =	sdelay $0x2  }
0xc2: {  	s31 =	sshll.u32 s1, $0xD;
	s1 =	sshrl.u32 s1, $0x2  }
0xc3: {  	s3 =	sand.u32 $0x4000, s31;
	s1 =	sadd.s32 s1, s30  }
0xc4: {  	s0 =	sor.u32 s3, s0;
	s1 =	sshll.u32 s1, $0x11  }
0xc5: {  	s0 =	sor.u32 s1, s0  }
0xc6: {  	s0 =	sadd.s32 $0x8F2B, s0  }
0xc7: {  	[sflag:s0] =	ssyncadd.remote.s32 $0x1  }
0xc8: {  	_ =	sfence.sel $0xFFFF  }
0xc9: {  	[dreg:$0x0] =	wrdreg $0xFFFFFFFF;
	(pc) =	sbr.abs _section_cstart, $3  }
0xca: {  	[dreg:$0x1] =	wrdreg $0xFFFFFFFF  }
0xcb: {  	_ =	task.clear_ibuf [dreg:s8], $0x2FFFF;
	_ =	strace $0x9FFFFFFF  }
0xcc: {  	(tm) =	ssettm $0x7FFFFFFF  }
0xcd: {  	_ =	shalt  }
tec
execute0_lowered:
.L_overlay_start_1:
0x0: {  	(tag) =	ssettag $0x1  }
0x1: {  	s4 =	rddreg [dreg:$0x0];
	s1 =	srdreg.scid  }
0x2: {  	s0 =	rddreg [dreg:$0x1];
	s1 =	sand.u32 $0x1, s1  }
0x3: {  	s14 =	rddreg [dreg:$0x2];
	p0 =	seq.s32 s1, $0x1  }
.Ltmp0:
0x4: {  	s3 =	rddreg [dreg:$0x3];
	(pc) =	sbr.rel @p0 .LBB2_26-.Ltmp0, $4  }
0x5: {  	s15 =	rddreg [dreg:$0x4]  }
0x6: {  	s11 =	rddreg [dreg:$0x5];
	s2 =	simm.s32 $0x0  }
0x7: {  	[smem:$0x7FF] =	sst s2  }
0x8: {  	s5 =	rddreg [dreg:$0x6];
	_ =	strace $0x80000047;
	s1 =	stileid.u32  }
0x9: {  	s5 =	smul.u32 $0x960, s1  }
0xa: {  	s9 =	smul.u32 $0xF, s1  }
0xb: {  	s8 =	smul.u32 $0x14000, s1  }
0xc: {  	s7 =	sadd.s32 $0x1800, s4;
	s21 =	smul.u32 $0xE10, s1  }
0xd: {  	s10 =	smul.u32 $0x500, s1;
	s5 =	sadd.s32 s5, s4;
	s4 =	sadd.s32 $0xB000, s4  }
0xe: {  	s12 =	scvt.s32.f32 s9;
	s20 =	sshrl.u32 s8, $0x2;
	s23 =	sadd.s32 s21, s11  }
0xf: {  	s24 =	sadd.s32 $0xE100, s21;
	s8 =	sshrl.u32 s21, $0x3;
	s6 =	sadd.s32 $0x1A00, s5  }
0x10: {  	s19 =	sadd.s32 s20, s3;
	[dreg:$0x10] =	wrdreg s23;
	s25 =	sadd.s32 s24, s11  }
0x11: {  	s26 =	sadd.s32 s0, s8;
	s11 =	sadd.s32 s4, s8;
	[dreg:$0xf] =	wrdreg s25  }
0x12: {  	s5 =	sshrl.u32 s24, $0x3;
	s20 =	simm.s32 $0x9B00;
	[dreg:$0xe] =	wrdreg s26  }
0x13: {  	s22 =	smul.f32 $8.368200620e-03, s12;
	[dreg:$0xd] =	wrdreg s11;
	s12 =	sadd.s32 s0, s5  }
0x14: {  	[tilespmem:s20], [sflag:$0x2] =	stream.linear.gather [hbm4b:s7+s2], $0x80, $0x38;
	[tilespmem:$0x1B4A0] =	vst v63  }
0x15: {  	s13 =	sadd.s32 $0x3840, s8;
	s20 =	sadd.s32 s4, s5;
	[dreg:$0xc] =	wrdreg s12  }
0x16: {  	s21 =	sadd.s32 s0, s13;
	[dreg:$0xb] =	wrdreg s20  }
0x17: {  	s17 =	smul.u32 $0x1E, s1;
	s18 =	sadd.s32 s10, s3;
	[dreg:$0xa] =	wrdreg s21  }
0x18: {  	s16 =	sadd.s32 s10, s15;
	s23 =	sadd.s32 s4, s13;
	s3 =	sadd.f32 $-1.000000000e+00, s22  }
0x19: {  	s24 =	sadd.s32 $0x5460, s8;
	[dreg:$0x8] =	wrdreg s23;
	s22 =	simm.s32 $0x2  }
0x1a: {  	s31 =	sadd.s32 $0xA000, s18;
	s28 =	sadd.s32 $0x2D000, s18;
	_ =	swait.ge [sflag:s22], $0x80;
	v0 =	vmov s3  }
0x1b: {  	s29 =	sadd.s32 $0x3C000, s18;
	s30 =	sadd.s32 $0x4B000, s18;
	[sflag:s22] =	ssyncset.done $0x0;
	v0 =	vbroadcast v0, $0x0  }
0x1c: {  	s25 =	sadd.s32 s0, s24;
	s26 =	sadd.s32 s4, s24;
	[sflag:s22] =	ssyncadd.s32 $0xFFFFFF80  }
0x1d: {  	s4 =	sadd.s32 $0xF000, s18;
	s0 =	sadd.s32 $0x14000, s18;
	s2 =	sadd.s32 $0x1E000, s18;
	v5 =	vld [tilespmem:$0x9B00];
	v1 =	vshrl.u32 v0, $0x10  }
0x1e: {  	s24 =	sadd.s32 $0x41000, s18;
	s5 =	simm.s32 $0x40;
	s7 =	simm.s32 $0x0;
	v4 =	vld [tilespmem:$0x9B10];
	v1 =	vand.u32 $0x1, v1  }
0x1f: {  	s21 =	sadd.s32 $0x28000, s18;
	s23 =	sadd.s32 $0x37000, s18;
	[dreg:$0x9] =	wrdreg s25;
	v2 =	vld [tilespmem:$0x9B30];
	v0 =	vadd.s32 v1, v0  }
0x20: {  	s20 =	sadd.s32 $0x46000, s18;
	[dreg:$0x7] =	wrdreg s26;
	s25 =	sadd.s32 $0x19000, s18;
	v3 =	vld [tilespmem:$0x9B40];
	v0 =	vadd.s32 $0x7FFF, v0  }
0x21: {  	v6 =	vimm.f32 $0.0e+00;
	s26 =	sadd.s32 $0x23000, s18;
	s3 =	sadd.s32 $0x5000, s18;
	s22 =	sadd.s32 $0x32000, s18;
	v1 =	vld [tilespmem:$0x9B20];
	v0 =	vand.u32 $0xFFFF0000, v0  }
.LBB2_2:
0x22: {  	p0 =	sne.s32 s5, $0x13FC0;
	[tilespmem:s7+$0x4B00] =	vst v6;
	s7 =	smov.u32 s5;
	s5 =	sadd.s32 $0x40, s5  }
.Ltmp1:
0x23: {  	(pc) =	sbr.rel @p0 .LBB2_2-.Ltmp1, $2  }
0x24: {  	_ =	sdelay $0x2  }
0x25: {  	s7 =	sshra.s32 s7, $0x2  }
0x26: {  	[tilespmem:s7+$0x4B00] =	vst v6;
	s5 =	simm.s32 $0x0;
	s13 =	simm.s32 $0x2  }
0x27: {  	[tilespmem:s5], [sflag:$0x2] =	stream.linear.gather [hbm4b:s6+s5], $0x4B00, $0x38;
	[tilespmem:$0x1B4A0] =	vst v63  }
0x28: {  	v5 =	vmul.f32 $1.977272780e-01, v5;
	_ =	swait.ge [sflag:s13], $0x4B00  }
0x29: {  	v6 =	vlaneseq.u32;
	s7 =	simm.s32 $0x0;
	[sflag:s13] =	ssyncset.done $0x0  }
0x2a: {  	v7 =	vimm.s32 $0x0;
	v8 =	vimm.f32 $0.0e+00;
	s8 =	simm.s32 $0x0;
	s6 =	simm.s32 $0x4B00;
	v5 =	vadd.f32 $1.581818200e+01, v5;
	[sflag:s13] =	ssyncadd.s32 $0xFFFFB500  }
.LBB2_4:
0x2b: {  	s10 =	sadd.s32 s17, s8  }
0x2c: {  	s10 =	scvt.s32.f32 s10  }
0x2d: {  	s12 =	sadd.s32 $0x0, s7  }
0x2e: {  	s13 =	sand.u32 $0x70, s5;
	v9 =	vor.u32 s5, v6;
	s12 =	sand.u32 $0xFF80, s12;
	s10 =	ssub.f32 $2.400000000e+02, s10  }
0x2f: {  	v9 =	vcvt.s32.f32 v9;
	s12 =	sor.u32 s13, s12  }
0x30: {  	v10 =	vld [tilespmem:s12+$0x0];
	s10 =	smul.f32 $2.576051240e+00, s10  }
0x31: {  	v9 =	vadd.f32 $-3.200000000e+02, v9  }
0x32: {  	s10 =	smul.f32 $1.977272780e-01, s10  }
0x33: {  	v11 =	vmul.f32 $5.100581650e-01, v9  }
0x34: {  	v9 =	vmov s10  }
0x35: {  	v12 =	vmul.f32 v10, v11;
	v11 =	vmul.f32 v10, v9;
	_ =	sdelay $0x1  }
0x36: {  	v10 =	vmul.f32 $-1.980000000e+02, v10;
	v13 =	vtrunc.f32 v12;
	v11 =	vadd.f32 v11, v5  }
0x37: {  	vm0 =	vlt.f32 v12, v13  }
0x38: {  	v14 =	vadd.f32 $4.950000000e+01, v10;
	v10 =	vcvt.f32.s32 v13;
	v13 =	vtrunc.f32 v11  }
0x39: {  	v15 =	vsel vm0, $0xFFFFFFFF, v7;
	v16 =	vcvt.f32.s32 v13;
	vm0 =	vlt.f32 v11, v13  }
0x3a: {  	v15 =	vadd.s32 v10, v15;
	v13 =	vtrunc.f32 v14;
	v10 =	vsel vm0, $0xFFFFFFFF, v7  }
0x3b: {  	v17 =	vcvt.f32.s32 v13;
	vm2 =	vlt.f32 v14, v13;
	v10 =	vadd.s32 v16, v10  }
0x3c: {  	v16 =	vmul.u32 $0x64, v15;
	v18 =	vcvt.s32.f32 v10;
	v19 =	vadd.s32 $0x1, v10  }
0x3d: {  	v20 =	vadd.s32 $0xFFFFFFEB, v10;
	vm0 =	vlt.u32 v19, $0x58;
	v19 =	vadd.s32 $0xFFFFFFEC, v10  }
0x3e: {  	vm1 =	vlt.u32 v20, $0xC;
	v13 =	vsub.f32 v11, v18;
	vm3 =	vlt.u32 v19, $0xC  }
0x3f: {  	v11 =	vsel vm2, $0xFFFFFFFF, v7;
	vm2 =	vlt.u32 v10, $0x58;
	v18 =	vsel vm0, $0x3F800000, v8  }
0x40: {  	v19 =	vcvt.s32.f32 v15;
	v21 =	vsel vm1, $0x3F800000, v8;
	v17 =	vadd.s32 v17, v11  }
0x41: {  	v20 =	vsub.f32 $1.000000000e+00, v13;
	v11 =	vcvt.s32.f32 v17;
	v10 =	vadd.s32 v17, v16  }
0x42: {  	v16 =	vsel vm2, $0x3F800000, v8;
	v22 =	vadd.s32 $0x1, v17;
	v12 =	vsub.f32 v12, v19  }
0x43: {  	vm2 =	vlt.u32 v15, $0x64;
	v15 =	vadd.s32 $0x1, v15;
	v19 =	vmul.f32 v18, v13  }
0x44: {  	vm5 =	vlt.u32 v17, $0x64;
	vm1 =	vlt.u32 v22, $0x64;
	vm4 =	vlt.u32 v15, $0x64  }
0x45: {  	v18 =	vadd.s32 $0x2710, v10;
	v21 =	vmul.f32 v21, v20;
	v11 =	vsub.f32 v14, v11  }
0x46: {  	v14 =	vmul.f32 v20, v16;
	v16 =	vsel vm3, $0x3F800000, v8;
	v22 =	vsub.f32 $1.000000000e+00, v12  }
0x47: {  	vm3 =	vmand vm2, vm5;
	v16 =	vmul.f32 v16, v13;
	v20 =	vsub.f32 $1.000000000e+00, v11  }
0x48: {  	v15 =	vadd.s32 $0x2774, v10;
	vm0 =	vmand vm2, vm1;
	vm2 =	vmand vm5, vm4  }
0x49: {  	v13 =	vadd.f32 v16, v21;
	v17 =	vmul.f32 v20, v12;
	v20 =	vmul.f32 v20, v22  }
0x4a: {  	s10 =	simm.s32 $0x10;
	v14 =	vadd.f32 v19, v14;
	v19 =	vadd.s32 $0x64, v10;
	v16 =	vmul.f32 v22, v11  }
.LBB2_5:
0x4b: {  	p0 =	sne.s32 s10, $0x270;
	v21 =	vmul.f32 v13, v20;
	s12 =	smov.u32 s10;
	s10 =	sadd.s32 $0x10, s10  }
0x4c: {  	v22 =	vadd.s32 $0x1, v10;
	v20 =	vmul.f32 v14, v20;
	v23 =	vmul.f32 v13, v16  }
0x4d: {  	v24 =	vadd.s32 $0x2711, v10;
	vm1 =	vmand vm4, vm1;
	[tilespmem:v10+s6+$0x0] =	vst.idx.add.f32.msk vm3, v21;
	v21 =	vmul.f32 v13, v17  }
0x4e: {  	s13 =	sadd.s32 s12, s7;
	v17 =	vmul.f32 v14, v17;
	[tilespmem:v18+s6+$0x0] =	vst.idx.add.f32.msk vm3, v20;
	v18 =	vadd.s32 $0x65, v10  }
0x4f: {  	v11 =	vmul.f32 v11, v12;
	s11 =	sand.u32 $0x70, s12;
	s13 =	sand.u32 $0xFF80, s13;
	v10 =	vadd.s32 $0x2775, v10;
	[tilespmem:v19+s6+$0x0] =	vst.idx.add.f32.msk vm2, v21  }
0x50: {  	v12 =	vor.u32 s12, v6;
	s11 =	sor.u32 s11, s13;
	[tilespmem:v15+s6+$0x0] =	vst.idx.add.f32.msk vm2, v17;
	v15 =	vmul.f32 v14, v16  }
0x51: {  	v12 =	vcvt.s32.f32 v12;
	v13 =	vmul.f32 v13, v11;
	[tilespmem:v22+s6+$0x0] =	vst.idx.add.f32.msk vm0, v23  }
0x52: {  	v11 =	vmul.f32 v14, v11;
	[tilespmem:v24+s6+$0x0] =	vst.idx.add.f32.msk vm0, v15  }
0x53: {  	v12 =	vadd.f32 $-3.200000000e+02, v12;
	[tilespmem:v18+s6+$0x0] =	vst.idx.add.f32.msk vm1, v13  }
0x54: {  	[tilespmem:v10+s6+$0x0] =	vst.idx.add.f32.msk vm1, v11  }
0x55: {  	v11 =	vmul.f32 $5.100581650e-01, v12;
	v10 =	vld [tilespmem:s11+$0x0];
	_ =	sdelay $0x4  }
0x56: {  	v12 =	vmul.f32 v10, v11;
	v11 =	vmul.f32 v10, v9  }
0x57: {  	v10 =	vmul.f32 $-1.980000000e+02, v10  }
0x58: {  	v11 =	vadd.f32 v11, v5;
	v13 =	vtrunc.f32 v12  }
0x59: {  	vm0 =	vlt.f32 v12, v13  }
0x5a: {  	v14 =	vadd.f32 $4.950000000e+01, v10;
	v10 =	vcvt.f32.s32 v13;
	v13 =	vtrunc.f32 v11  }
0x5b: {  	v15 =	vsel vm0, $0xFFFFFFFF, v7;
	v16 =	vcvt.f32.s32 v13;
	vm0 =	vlt.f32 v11, v13  }
0x5c: {  	v13 =	vtrunc.f32 v14;
	v15 =	vadd.s32 v10, v15;
	v10 =	vsel vm0, $0xFFFFFFFF, v7  }
0x5d: {  	v17 =	vcvt.f32.s32 v13;
	v10 =	vadd.s32 v16, v10;
	v16 =	vmul.u32 $0x64, v15  }
0x5e: {  	v18 =	vcvt.s32.f32 v10;
	v19 =	vadd.s32 $0x1, v10;
	v20 =	vadd.s32 $0xFFFFFFEB, v10  }
0x5f: {  	vm0 =	vlt.u32 v19, $0x58;
	vm1 =	vlt.u32 v20, $0xC;
	v19 =	vadd.s32 $0xFFFFFFEC, v10  }
0x60: {  	vm2 =	vlt.f32 v14, v13;
	v13 =	vsub.f32 v11, v18;
	vm3 =	vlt.u32 v19, $0xC  }
0x61: {  	v11 =	vsel vm2, $0xFFFFFFFF, v7;
	vm2 =	vlt.u32 v10, $0x58;
	v18 =	vsel vm0, $0x3F800000, v8  }
0x62: {  	v19 =	vcvt.s32.f32 v15;
	v17 =	vadd.s32 v17, v11;
	v20 =	vsub.f32 $1.000000000e+00, v13  }
0x63: {  	v21 =	vsel vm1, $0x3F800000, v8;
	v11 =	vcvt.s32.f32 v17;
	v10 =	vadd.s32 v17, v16  }
0x64: {  	v16 =	vsel vm2, $0x3F800000, v8;
	v22 =	vadd.s32 $0x1, v17;
	v21 =	vmul.f32 v21, v20  }
0x65: {  	v12 =	vsub.f32 v12, v19;
	v11 =	vsub.f32 v14, v11;
	v14 =	vmul.f32 v20, v16  }
0x66: {  	vm2 =	vlt.u32 v15, $0x64;
	vm1 =	vlt.u32 v22, $0x64;
	v16 =	vsel vm3, $0x3F800000, v8  }
0x67: {  	v15 =	vadd.s32 $0x1, v15;
	vm0 =	vmand vm2, vm1;
	v16 =	vmul.f32 v16, v13  }
.Ltmp2:
0x68: {  	v19 =	vmul.f32 v18, v13;
	vm5 =	vlt.u32 v17, $0x64;
	v20 =	vsub.f32 $1.000000000e+00, v11;
	(pc) =	sbr.rel @p0 .LBB2_5-.Ltmp2, $4  }
0x69: {  	vm4 =	vlt.u32 v15, $0x64;
	v22 =	vsub.f32 $1.000000000e+00, v12;
	vm3 =	vmand vm2, vm5  }
0x6a: {  	v18 =	vadd.s32 $0x2710, v10;
	v15 =	vadd.s32 $0x2774, v10;
	v17 =	vmul.f32 v20, v12  }
0x6b: {  	vm2 =	vmand vm5, vm4;
	v13 =	vadd.f32 v16, v21;
	v20 =	vmul.f32 v20, v22  }
0x6c: {  	v14 =	vadd.f32 v19, v14;
	v19 =	vadd.s32 $0x64, v10;
	v16 =	vmul.f32 v22, v11  }
0x6d: {  	_ =	sdelay $0x2  }
0x6e: {  	v9 =	vmul.f32 v13, v20  }
0x6f: {  	v21 =	vadd.s32 $0x1, v10;
	v60 =	vmul.f32 v14, v20  }
0x70: {  	v22 =	vadd.s32 $0x2711, v10;
	vm1 =	vmand vm4, vm1;
	[tilespmem:v10+s6+$0x0] =	vst.idx.add.f32.msk vm3, v9;
	v9 =	vmul.f32 v13, v17  }
0x71: {  	v62 =	vadd.s32 $0x65, v10;
	s8 =	sadd.s32 $0x1, s8;
	v61 =	vmul.f32 v14, v17;
	[tilespmem:v18+s6+$0x0] =	vst.idx.add.f32.msk vm3, v60  }
0x72: {  	v63 =	vmul.f32 v13, v16;
	p0 =	sne.s32 s8, $0x1E;
	v10 =	vadd.s32 $0x2775, v10;
	[tilespmem:v19+s6+$0x0] =	vst.idx.add.f32.msk vm2, v9;
	v9 =	vmul.f32 v11, v12  }
.Ltmp3:
0x73: {  	v11 =	vmul.f32 v14, v16;
	[tilespmem:v15+s6+$0x0] =	vst.idx.add.f32.msk vm2, v61;
	(pc) =	sbr.rel @p0 .LBB2_4-.Ltmp3, $4  }
0x74: {  	[tilespmem:v21+s6+$0x0] =	vst.idx.add.f32.msk vm0, v63;
	v12 =	vmul.f32 v13, v9  }
0x75: {  	v9 =	vmul.f32 v14, v9;
	[tilespmem:v22+s6+$0x0] =	vst.idx.add.f32.msk vm0, v11  }
0x76: {  	[tilespmem:v62+s6+$0x0] =	vst.idx.add.f32.msk vm1, v12  }
0x77: {  	s7 =	sadd.s32 $0x280, s7;
	[tilespmem:v10+s6+$0x0] =	vst.idx.add.f32.msk vm1, v9  }
0x78: {  	s5 =	simm.s32 $0x4B00;
	s6 =	simm.s32 $0x2  }
0x79: {  	[spmem:s19] =	stream.linear.scatter [tilespmem:s5], [sflag:$0x2], $0x5000, $0x38;
	[tilespmem:$0x1B4A0] =	vst v63  }
0x7a: {  	_ =	swait.ge [sflag:s6], $0x5000  }
0x7b: {  	[sflag:s6] =	ssyncset.done $0x0  }
0x7c: {  	[sflag:s6] =	ssyncadd.s32 $0xFFFFB000  }
0x7d: {  	s5 =	simm.s32 $0x9B80;
	[bflag:$0x0] =	sbarrier.arrive $0xFFFF  }
0x7e: {  	[tilespmem:s5], [sflag:$0x2] =	stream.linear.gather [spmem:s18], $0x500, $0x38;
	[tilespmem:$0x1B4A0] =	vst v63  }
0x7f: {  	_ =	swait.ge [sflag:s6], $0x500  }
0x80: {  	[sflag:s6] =	ssyncset.done $0x0  }
0x81: {  	s7 =	simm.s32 $0xA080;
	[sflag:s6] =	ssyncadd.s32 $0xFFFFFB00  }
0x82: {  	[tilespmem:s7], [sflag:$0x1] =	stream.linear.gather [spmem:s3], $0x500, $0x38;
	[tilespmem:$0x1B4A0] =	vst v63  }
0x83: {  	s8 =	simm.s32 $0xA580  }
0x84: {  	[tilespmem:s8], [sflag:$0x1] =	stream.linear.gather [spmem:s31], $0x500, $0x38;
	[tilespmem:$0x1B4A0] =	vst v63  }
0x85: {  	s10 =	simm.s32 $0xAA80  }
0x86: {  	[tilespmem:s10], [sflag:$0x1] =	stream.linear.gather [spmem:s4], $0x500, $0x38;
	[tilespmem:$0x1B4A0] =	vst v63  }
0x87: {  	s11 =	simm.s32 $0xAF80  }
0x88: {  	[tilespmem:s11], [sflag:$0x1] =	stream.linear.gather [spmem:s0], $0x500, $0x38;
	[tilespmem:$0x1B4A0] =	vst v63  }
0x89: {  	s12 =	simm.s32 $0xB480  }
0x8a: {  	[tilespmem:s12], [sflag:$0x1] =	stream.linear.gather [spmem:s25], $0x500, $0x38;
	[tilespmem:$0x1B4A0] =	vst v63  }
0x8b: {  	s13 =	simm.s32 $0xB980  }
0x8c: {  	[tilespmem:s13], [sflag:$0x1] =	stream.linear.gather [spmem:s2], $0x500, $0x38;
	[tilespmem:$0x1B4A0] =	vst v63  }
0x8d: {  	s17 =	simm.s32 $0xBE80  }
0x8e: {  	[tilespmem:s17], [sflag:$0x1] =	stream.linear.gather [spmem:s26], $0x500, $0x38;
	[tilespmem:$0x1B4A0] =	vst v63  }
0x8f: {  	s18 =	simm.s32 $0xC380  }
0x90: {  	[tilespmem:s18], [sflag:$0x1] =	stream.linear.gather [spmem:s21], $0x500, $0x38;
	[tilespmem:$0x1B4A0] =	vst v63  }
0x91: {  	s19 =	simm.s32 $0xC880  }
0x92: {  	[tilespmem:s19], [sflag:$0x1] =	stream.linear.gather [spmem:s28], $0x500, $0x38;
	[tilespmem:$0x1B4A0] =	vst v63  }
0x93: {  	s21 =	simm.s32 $0xCD80  }
0x94: {  	[tilespmem:s21], [sflag:$0x1] =	stream.linear.gather [spmem:s22], $0x500, $0x38;
	[tilespmem:$0x1B4A0] =	vst v63  }
0x95: {  	s25 =	simm.s32 $0xD280  }
0x96: {  	[tilespmem:s25], [sflag:$0x1] =	stream.linear.gather [spmem:s23], $0x500, $0x38;
	[tilespmem:$0x1B4A0] =	vst v63  }
0x97: {  	s26 =	simm.s32 $0xD780  }
0x98: {  	[tilespmem:s26], [sflag:$0x1] =	stream.linear.gather [spmem:s29], $0x500, $0x38;
	[tilespmem:$0x1B4A0] =	vst v63  }
0x99: {  	s28 =	simm.s32 $0xDC80  }
0x9a: {  	[tilespmem:s28], [sflag:$0x1] =	stream.linear.gather [spmem:s24], $0x500, $0x38;
	[tilespmem:$0x1B4A0] =	vst v63  }
0x9b: {  	s29 =	simm.s32 $0xE180  }
0x9c: {  	[tilespmem:s29], [sflag:$0x1] =	stream.linear.gather [spmem:s20], $0x500, $0x38;
	[tilespmem:$0x1B4A0] =	vst v63  }
0x9d: {  	s31 =	simm.s32 $0xE680;
	s0 =	simm.s32 $0x1  }
0x9e: {  	[tilespmem:s31], [sflag:$0x1] =	stream.linear.gather [spmem:s30], $0x500, $0x38;
	[tilespmem:$0x1B4A0] =	vst v63  }
0x9f: {  	_ =	swait.ge [sflag:s0], $0x500  }
0xa0: {  	[sflag:s0] =	ssyncset.done $0x0  }
0xa1: {  	[sflag:s0] =	ssyncadd.s32 $0xFFFFFB00  }
0xa2: {  	_ =	swait.ge [sflag:s0], $0x500  }
0xa3: {  	[sflag:s0] =	ssyncset.done $0x0  }
0xa4: {  	[sflag:s0] =	ssyncadd.s32 $0xFFFFFB00  }
0xa5: {  	_ =	swait.ge [sflag:s0], $0x500  }
0xa6: {  	[sflag:s0] =	ssyncset.done $0x0  }
0xa7: {  	[sflag:s0] =	ssyncadd.s32 $0xFFFFFB00  }
0xa8: {  	_ =	swait.ge [sflag:s0], $0x500  }
0xa9: {  	[sflag:s0] =	ssyncset.done $0x0  }
0xaa: {  	[sflag:s0] =	ssyncadd.s32 $0xFFFFFB00  }
0xab: {  	_ =	swait.ge [sflag:s0], $0x500  }
0xac: {  	[sflag:s0] =	ssyncset.done $0x0  }
0xad: {  	[sflag:s0] =	ssyncadd.s32 $0xFFFFFB00  }
0xae: {  	_ =	swait.ge [sflag:s0], $0x500  }
0xaf: {  	[sflag:s0] =	ssyncset.done $0x0  }
0xb0: {  	[sflag:s0] =	ssyncadd.s32 $0xFFFFFB00  }
0xb1: {  	_ =	swait.ge [sflag:s0], $0x500  }
0xb2: {  	[sflag:s0] =	ssyncset.done $0x0  }
0xb3: {  	[sflag:s0] =	ssyncadd.s32 $0xFFFFFB00  }
0xb4: {  	_ =	swait.ge [sflag:s0], $0x500  }
0xb5: {  	[sflag:s0] =	ssyncset.done $0x0  }
0xb6: {  	[sflag:s0] =	ssyncadd.s32 $0xFFFFFB00  }
0xb7: {  	_ =	swait.ge [sflag:s0], $0x500  }
0xb8: {  	[sflag:s0] =	ssyncset.done $0x0  }
0xb9: {  	[sflag:s0] =	ssyncadd.s32 $0xFFFFFB00  }
0xba: {  	_ =	swait.ge [sflag:s0], $0x500  }
0xbb: {  	[sflag:s0] =	ssyncset.done $0x0  }
0xbc: {  	[sflag:s0] =	ssyncadd.s32 $0xFFFFFB00  }
0xbd: {  	_ =	swait.ge [sflag:s0], $0x500  }
0xbe: {  	[sflag:s0] =	ssyncset.done $0x0  }
0xbf: {  	[sflag:s0] =	ssyncadd.s32 $0xFFFFFB00  }
0xc0: {  	_ =	swait.ge [sflag:s0], $0x500  }
0xc1: {  	[sflag:s0] =	ssyncset.done $0x0  }
0xc2: {  	[sflag:s0] =	ssyncadd.s32 $0xFFFFFB00  }
0xc3: {  	_ =	swait.ge [sflag:s0], $0x500  }
0xc4: {  	[sflag:s0] =	ssyncset.done $0x0  }
0xc5: {  	[sflag:s0] =	ssyncadd.s32 $0xFFFFFB00  }
0xc6: {  	_ =	swait.ge [sflag:s0], $0x500  }
0xc7: {  	[sflag:s0] =	ssyncset.done $0x0  }
0xc8: {  	[sflag:s0] =	ssyncadd.s32 $0xFFFFFB00  }
0xc9: {  	_ =	swait.ge [sflag:s0], $0x500  }
0xca: {  	[sflag:s0] =	ssyncset.done $0x0  }
0xcb: {  	[sflag:s0] =	ssyncadd.s32 $0xFFFFFB00  }
0xcc: {  	s3 =	simm.s32 $0x0;
	s2 =	simm.s32 $0x0;
	s10 =	rddreg [dreg:$0x5]  }
.LBB2_8:
0xcd: {  	s4 =	sadd.s32 $0x0, s3  }
0xce: {  	s6 =	sand.u32 $0x70, s2;
	s4 =	sand.u32 $0xFFFFFF80, s4  }
0xcf: {  	v6 =	vld [tilespmem:s5+$0x0];
	s4 =	sor.u32 s6, s4  }
0xd0: {  	v5 =	vld [tilespmem:s4+$0xA080];
	_ =	sdelay $0x3  }
0xd1: {  	s30 =	sadd.s32 $0x10, s3  }
0xd2: {  	s31 =	simm.s32 $0x10;
	s7 =	sand.u32 $0xFFFFFF80, s30;
	v5 =	vadd.f32 v5, v6  }
0xd3: {  	s8 =	sand.u32 $0x70, s31;
	s6 =	simm.s32 $0x20;
	s4 =	simm.s32 $0x9B80  }
.LBB2_9:
0xd4: {  	p0 =	sne.s32 s6, $0x4F0;
	s7 =	sor.u32 s8, s7;
	[tilespmem:s4+$0x0] =	vst v5  }
0xd5: {  	s4 =	sadd.s32 $0x10, s4;
	v5 =	vld [tilespmem:s7+$0xA080]  }
0xd6: {  	v6 =	vld [tilespmem:s4+$0x0];
	_ =	sdelay $0x1  }
.Ltmp4:
0xd7: {  	(pc) =	sbr.rel @p0 .LBB2_9-.Ltmp4, $3  }
0xd8: {  	_ =	sdelay $0x1  }
0xd9: {  	s7 =	sadd.s32 s6, s3;
	v5 =	vadd.f32 v5, v6  }
0xda: {  	s8 =	sand.u32 $0x70, s6;
	s6 =	sadd.s32 $0x10, s6;
	s7 =	sand.u32 $0xFFFFFF80, s7  }
0xdb: {  	s6 =	sor.u32 s8, s7;
	[tilespmem:s4+$0x0] =	vst v5  }
0xdc: {  	s31 =	sadd.s32 $0x10, s4;
	v5 =	vld [tilespmem:s6+$0xA080]  }
0xdd: {  	v6 =	vld [tilespmem:s31+$0x0]  }
0xde: {  	s0 =	sadd.s32 $0x1, s0  }
0xdf: {  	p0 =	sne.s32 s0, $0x10  }
.Ltmp5:
0xe0: {  	_ = 	snop;
	(pc) =	sbr.rel @p0 .LBB2_8-.Ltmp5, $3  }
0xe1: {  	_ = 	snop  }
0xe2: {  	v5 =	vadd.f32 v5, v6;
	_ =	sdelay $0x1  }
0xe3: {  	s3 =	sadd.s32 $0x500, s3;
	[tilespmem:s31+$0x0] =	vst v5  }
0xe4: {  	s0 =	simm.s32 $0x9B80;
	s31 =	simm.s32 $0x2  }
0xe5: {  	[spmem:s16] =	stream.linear.scatter [tilespmem:s0], [sflag:$0x2], $0x500, $0x38;
	[tilespmem:$0x1B4A0] =	vst v63  }
0xe6: {  	_ =	swait.ge [sflag:s31], $0x500  }
0xe7: {  	[sflag:s31] =	ssyncset.done $0x0  }
0xe8: {  	[sflag:s31] =	ssyncadd.s32 $0xFFFFFB00  }
0xe9: {  	s2 =	simm.s32 $0x4B00;
	[bflag:$0x0] =	sbarrier.arrive $0xFFFF  }
0xea: {  	[tilespmem:s2], [sflag:$0x2] =	stream.linear.gather [spmem:s15], $0x5000, $0x38;
	[tilespmem:$0x1B4A0] =	vst v63  }
0xeb: {  	_ =	swait.ge [sflag:s31], $0x5000  }
0xec: {  	[sflag:s31] =	ssyncset.done $0x0  }
0xed: {  	s0 =	simm.s32 $0x0;
	s2 =	simm.s32 $0x40;
	[sflag:s31] =	ssyncadd.s32 $0xFFFFB000  }
.LBB2_12:
0xee: {  	p0 =	sne.s32 s2, $0x13FC0;
	v5 =	vld [tilespmem:s0+$0x4B00];
	_ =	sdelay $0x2  }
.Ltmp6:
0xef: {  	(pc) =	sbr.rel @p0 .LBB2_12-.Ltmp6, $4  }
0xf0: {  	_ = 	snop  }
0xf1: {  	v5 =	vmax.f32 v5, $0.0e+00  }
0xf2: {  	v5 =	vmin.f32 v5, $1.000000000e+00  }
0xf3: {  	[tilespmem:s0+$0x4B00] =	vst v5;
	s0 =	sshra.s32 s2, $0x2;
	s2 =	sadd.s32 $0x40, s2  }
0xf4: {  	v5 =	vld [tilespmem:s0+$0x4B00];
	_ =	sdelay $0x4  }
0xf5: {  	v6 =	vshrl.u32 v4, $0x10;
	v5 =	vmax.f32 v5, $0.0e+00  }
0xf6: {  	p0 =	sne.s32 s1, $0x0;
	v7 =	vshrl.u32 v3, $0x10;
	v6 =	vand.u32 $0x1, v6;
	v5 =	vmin.f32 v5, $1.000000000e+00  }
0xf7: {  	s2 =	simm.s32 @!p0 $0x4B00;
	v7 =	vand.u32 $0x1, v7;
	v4 =	vadd.s32 v6, v4;
	[tilespmem:s0+$0x4B00] =	vst v5;
	s0 =	simm.s32 @!p0 $0x0  }
0xf8: {  	v6 =	vshrl.u32 v2, $0x10;
	v3 =	vadd.s32 v7, v3;
	v5 =	vshrl.u32 v1, $0x10;
	[hbm4b:s14+s0] =	stream.linear.scatter @!p0 [tilespmem:s2], [sflag:$0x2], $0x2710, $0x38;
	[tilespmem:$0x1B4A0] =	vst v63  }
0xf9: {  	v7 =	vimm.f32 $0.0e+00;
	v4 =	vadd.s32 $0x7FFF, v4;
	v5 =	vand.u32 $0x1, v5;
	s0 =	simm.s32 @!p0 $0x2  }
0xfa: {  	v6 =	vand.u32 $0x1, v6;
	v4 =	vand.u32 $0xFFFF0000, v4;
	v1 =	vadd.s32 v5, v1;
	_ =	swait.ge @!p0 [sflag:s0], $0x2710  }
0xfb: {  	v2 =	vadd.s32 v6, v2;
	v6 =	vimm.s32 $0x0;
	v1 =	vadd.s32 $0x7FFF, v1;
	[sflag:s0] =	ssyncset.done @!p0 $0x0  }
0xfc: {  	s15 =	simm.s32 $0xF990;
	s16 =	simm.s32 $0x4B00;
	v2 =	vadd.s32 $0x7FFF, v2;
	v5 =	vadd.s32 $0x7FFF, v3;
	v3 =	vand.u32 $0xFFFF0000, v1;
	[sflag:s0] =	ssyncadd.s32 @!p0 $0xFFFFD8F0  }
0xfd: {  	s17 =	simm.s32 $0x0;
	s14 =	simm.s32 $0x0;
	v1 =	vand.u32 $0xFFFF0000, v2;
	v2 =	vand.u32 $0xFFFF0000, v5;
	v5 =	vlaneseq.u32;
	s5 =	rddreg [dreg:$0x6]  }
.LBB2_14:
0xfe: {  	s0 =	sadd.s32 s9, s17  }
0xff: {  	s0 =	scvt.s32.f32 s0;
	_ =	sdelay $0x1  }
0x100: {  	v8 =	vor.u32 s14, v5;
	s0 =	smul.f32 $8.368200620e-03, s0  }
0x101: {  	v8 =	vcvt.s32.f32 v8  }
0x102: {  	v9 =	vmov s0  }
0x103: {  	v8 =	vmul.f32 $8.368200620e-03, v8;
	v9 =	vadd.f32 $-1.000000000e+00, v9;
	_ =	sdelay $0x1  }
0x104: {  	v8 =	vadd.f32 $-1.000000000e+00, v8;
	v9 =	vbroadcast v9, $0x0;
	_ =	sdelay $0x1  }
0x105: {  	v11 =	vshrl.u32 v8, $0x10;
	v10 =	vshrl.u32 v9, $0x10  }
0x106: {  	v11 =	vand.u32 $0x1, v11;
	v10 =	vand.u32 $0x1, v10  }
0x107: {  	v8 =	vadd.s32 v11, v8;
	v9 =	vadd.s32 v10, v9  }
0x108: {  	v8 =	vadd.s32 $0x7FFF, v8;
	v9 =	vadd.s32 $0x7FFF, v9  }
0x109: {  	v10 =	vand.u32 $0xFFFF0000, v8;
	v9 =	vand.u32 $0xFFFF0000, v9  }
0x10a: {  	v11 =	vmul.f32 v10, v3;
	v8 =	vmul.f32 v9, v4  }
0x10b: {  	v10 =	vmul.f32 v10, v4;
	v9 =	vmul.f32 v9, v3  }
0x10c: {  	v11 =	vadd.f32 v11, v8  }
0x10d: {  	v10 =	vsub.f32 v10, v9  }
0x10e: {  	v11 =	vadd.f32 $1.000000000e+00, v11  }
0x10f: {  	v10 =	vadd.f32 $1.000000000e+00, v10  }
0x110: {  	v11 =	vmul.f32 $1.195000000e+02, v11  }
0x111: {  	v10 =	vmul.f32 $1.195000000e+02, v10  }
0x112: {  	v12 =	vtrunc.f32 v11  }
0x113: {  	v14 =	vtrunc.f32 v10;
	v13 =	vcvt.f32.s32 v12;
	vm0 =	vlt.f32 v11, v12  }
0x114: {  	vm9 =	vlt.f32 v10, v14;
	v14 =	vcvt.f32.s32 v14;
	v12 =	vsel vm0, $0xFFFFFFFF, v6  }
0x115: {  	v16 =	vsel vm9, $0xFFFFFFFF, v6;
	v12 =	vadd.s32 v13, v12  }
0x116: {  	v14 =	vadd.s32 v14, v16;
	v13 =	vadd.s32 $0xFFFFFF88, v12  }
0x117: {  	v15 =	vadd.s32 $0xFFFFFF89, v12;
	v12 =	vcvt.s32.f32 v12;
	v16 =	vadd.s32 $0xFFFFFFBA, v14  }
0x118: {  	vm1 =	vgt.s32 v13, $0x0;
	vm10 =	vlt.u32 v15, $0x64;
	vm11 =	vlt.u32 v13, $0x64  }
0x119: {  	vm2 =	vgt.s32 v16, $0x0;
	vm3 =	vgt.s32 v15, $0x0;
	vm13 =	vlt.u32 v16, $0x64  }
0x11a: {  	v17 =	vnsel vm1, $0x0, v13;
	v18 =	vnsel vm2, $0x0, v16;
	v15 =	vnsel vm3, $0x0, v15  }
0x11b: {  	v11 =	vsub.f32 v11, v12;
	v13 =	vmin.u32 v17, $0x63;
	v17 =	vcvt.s32.f32 v14  }
0x11c: {  	s31 =	simm.s32 $0x10;
	vm14 =	vmand vm13, vm11;
	v14 =	vadd.s32 $0xFFFFFFBB, v14;
	v13 =	vmul.u32 $0x64, v13  }
0x11d: {  	v10 =	vsub.f32 v10, v17;
	v17 =	vmin.u32 v18, $0x63;
	v18 =	vor.u32 s31, v5  }
0x11e: {  	v15 =	vmin.u32 v15, $0x63;
	vm12 =	vgt.s32 v14, $0x0;
	v18 =	vcvt.s32.f32 v18  }
0x11f: {  	v15 =	vmul.u32 $0x64, v15;
	v20 =	vnsel vm12, $0x0, v14;
	v12 =	vadd.s32 v17, v13  }
0x120: {  	v16 =	vmin.u32 v20, $0x63;
	v19 =	vadd.s32 $0x2710, v12;
	v18 =	vmul.f32 $8.368200620e-03, v18  }
0x121: {  	vm2 =	vmand vm13, vm10;
	v17 =	vadd.s32 v17, v15;
	v15 =	vadd.s32 v16, v15  }
0x122: {  	v26 =	vsel vm14, $0x3F800000, v7;
	v22 =	vsub.f32 $1.000000000e+00, v11;
	v18 =	vadd.f32 $-1.000000000e+00, v18  }
0x123: {  	vm15 =	vlt.u32 v14, $0x64;
	v21 =	vsub.f32 $1.000000000e+00, v10;
	v23 =	vadd.s32 $0x2710, v17  }
0x124: {  	v16 =	vadd.s32 v16, v13;
	v24 =	vadd.s32 $0x2710, v15;
	v12 =	vld.idx.msk [tilespmem:v12+s16+$0x0], $0xffff;
	v13 =	vshrl.u32 v18, $0x10  }
0x125: {  	v20 =	vmul.f32 v22, v21;
	v21 =	vmul.f32 v21, v11;
	v19 =	vld.idx.msk [tilespmem:v19+s16+$0x0], $0xffff;
	v13 =	vand.u32 $0x1, v13  }
0x126: {  	v25 =	vadd.s32 $0x2710, v16;
	v61 =	vld.idx.msk [tilespmem:v15+s16+$0x0], $0xffff;
	v15 =	vsel vm2, $0x3F800000, v7;
	v13 =	vadd.s32 v13, v18  }
0x127: {  	v21 =	vmul.f32 v15, v21;
	v18 =	vmul.f32 v26, v20;
	v13 =	vadd.s32 $0x7FFF, v13  }
0x128: {  	v20 =	vmul.f32 v22, v10;
	v10 =	vmul.f32 v11, v10;
	v11 =	vld.idx.msk [tilespmem:v17+s16+$0x0], $0xffff;
	v13 =	vand.u32 $0xFFFF0000, v13  }
0x129: {  	vm1 =	vmand vm15, vm11;
	v14 =	vld.idx.msk [tilespmem:v23+s16+$0x0], $0xffff;
	v17 =	vmul.f32 v13, v4;
	v13 =	vmul.f32 v13, v3  }
0x12a: {  	vm0 =	vmand vm15, vm10;
	v12 =	vmul.f32 v12, v18;
	v18 =	vmul.f32 v19, v18  }
0x12b: {  	v62 =	vld.idx.msk [tilespmem:v25+s16+$0x0], $0xffff;
	v19 =	vsel vm0, $0x3F800000, v7;
	v63 =	vadd.f32 v13, v8;
	v17 =	vsub.f32 v17, v9  }
0x12c: {  	v15 =	vmul.f32 v19, v10;
	v12 =	vadd.f32 $0.0e+00, v12;
	v13 =	vsel vm1, $0x3F800000, v7  }
0x12d: {  	v11 =	vmul.f32 v11, v21;
	v10 =	vadd.f32 $1.000000000e+00, v63;
	v19 =	vadd.f32 $1.000000000e+00, v17;
	v17 =	vld.idx.msk [tilespmem:v24+s16+$0x0], $0xffff  }
0x12e: {  	v18 =	vadd.f32 $0.0e+00, v18;
	v13 =	vmul.f32 v13, v20;
	v20 =	vmul.f32 v14, v21  }
0x12f: {  	v16 =	vld.idx.msk [tilespmem:v16+s16+$0x0], $0xffff;
	v14 =	vadd.f32 v11, v12;
	v12 =	vmul.f32 v61, v15;
	v10 =	vmul.f32 $1.195000000e+02, v10  }
0x130: {  	s3 =	simm.s32 $0x20;
	s2 =	smov.u32 s15;
	s0 =	smov.u32 s15;
	v18 =	vadd.f32 v20, v18;
	v11 =	vmul.f32 $1.195000000e+02, v19;
	v19 =	vmul.f32 v62, v13  }
.LBB2_15:
0x131: {  	p0 =	sne.s32 s3, $0xE0  }
0x132: {  	v20 =	vtrunc.f32 v10;
	v15 =	vmul.f32 v17, v15;
	s0 =	sadd.s32 $0x10, s0;
	s4 =	smov.u32 s3;
	s3 =	sadd.s32 $0x10, s3  }
0x133: {  	v17 =	vcvt.f32.s32 v20;
	vm0 =	vlt.f32 v10, v20;
	v18 =	vadd.f32 v19, v18  }
0x134: {  	v19 =	vtrunc.f32 v11;
	v13 =	vmul.f32 v16, v13;
	v20 =	vsel vm0, $0xFFFFFFFF, v6  }
0x135: {  	vm0 =	vlt.f32 v11, v19;
	v16 =	vadd.s32 v17, v20;
	v15 =	vadd.f32 v15, v18  }
0x136: {  	v17 =	vsel vm0, $0xFFFFFFFF, v6;
	v13 =	vadd.f32 v13, v14;
	v18 =	vadd.s32 $0xFFFFFF88, v16  }
0x137: {  	v14 =	vcvt.f32.s32 v19;
	v19 =	vadd.s32 $0xFFFFFF89, v16;
	vm1 =	vgt.s32 v18, $0x0;
	[tilespmem:s2+$0x0] =	vst v15  }
0x138: {  	vm0 =	vlt.u32 v19, $0x64;
	v12 =	vadd.f32 v12, v13;
	v15 =	vnsel vm1, $0x0, v18  }
0x139: {  	v13 =	vadd.s32 v14, v17;
	vm1 =	vlt.u32 v18, $0x64;
	v14 =	vmin.u32 v15, $0x63  }
0x13a: {  	v15 =	vcvt.s32.f32 v16;
	v16 =	vadd.s32 $0xFFFFFFBA, v13;
	v14 =	vmul.u32 $0x64, v14;
	[tilespmem:s2+$0xFFFFF1F0] =	vst v12;
	s2 =	smov.u32 s0  }
0x13b: {  	v12 =	vcvt.s32.f32 v13;
	v13 =	vadd.s32 $0xFFFFFFBB, v13;
	vm2 =	vgt.s32 v16, $0x0  }
0x13c: {  	vm3 =	vgt.s32 v19, $0x0;
	v17 =	vnsel vm2, $0x0, v16;
	vm2 =	vgt.s32 v13, $0x0  }
0x13d: {  	v11 =	vsub.f32 v11, v12;
	v12 =	vmin.u32 v17, $0x63;
	v17 =	vnsel vm3, $0x0, v19  }
0x13e: {  	v18 =	vor.u32 s4, v5;
	v10 =	vsub.f32 v10, v15;
	v15 =	vadd.s32 v12, v14  }
0x13f: {  	v18 =	vcvt.s32.f32 v18;
	v17 =	vmin.u32 v17, $0x63;
	v19 =	vadd.s32 $0x2710, v15  }
0x140: {  	v20 =	vnsel vm2, $0x0, v13;
	v22 =	vsub.f32 $1.000000000e+00, v10;
	v21 =	vsub.f32 $1.000000000e+00, v11  }
0x141: {  	v18 =	vmul.f32 $8.368200620e-03, v18;
	vm2 =	vlt.u32 v16, $0x64;
	v16 =	vmul.u32 $0x64, v17  }
0x142: {  	vm3 =	vmand vm2, vm1;
	v17 =	vmin.u32 v20, $0x63;
	v20 =	vmul.f32 v22, v21  }
0x143: {  	v18 =	vadd.f32 $-1.000000000e+00, v18;
	v12 =	vadd.s32 v12, v16;
	v16 =	vadd.s32 v17, v16;
	v15 =	vld.idx.msk [tilespmem:v15+s16+$0x0], $0xffff  }
0x144: {  	v14 =	vadd.s32 v17, v14;
	v23 =	vadd.s32 $0x2710, v12;
	v17 =	vadd.s32 $0x2710, v16  }
0x145: {  	v24 =	vshrl.u32 v18, $0x10;
	v21 =	vmul.f32 v21, v10;
	v25 =	vadd.s32 $0x2710, v14;
	v19 =	vld.idx.msk [tilespmem:v19+s16+$0x0], $0xffff  }
0x146: {  	vm2 =	vmand vm2, vm0;
	v26 =	vsel vm3, $0x3F800000, v7;
	v24 =	vand.u32 $0x1, v24  }
0x147: {  	v22 =	vmul.f32 v22, v11;
	v18 =	vadd.s32 v24, v18;
	v20 =	vmul.f32 v26, v20  }
0x148: {  	vm3 =	vlt.u32 v13, $0x64;
	v10 =	vmul.f32 v10, v11;
	v18 =	vadd.s32 $0x7FFF, v18;
	v12 =	vld.idx.msk [tilespmem:v12+s16+$0x0], $0xffff  }
0x149: {  	vm1 =	vmand vm3, vm1;
	v11 =	vand.u32 $0xFFFF0000, v18;
	v18 =	vmul.f32 v15, v20;
	v23 =	vld.idx.msk [tilespmem:v23+s16+$0x0], $0xffff  }
0x14a: {  	vm0 =	vmand vm3, vm0;
	v13 =	vmul.f32 v11, v4;
	v11 =	vmul.f32 v11, v3;
	v24 =	vld.idx.msk [tilespmem:v16+s16+$0x0], $0xffff  }
0x14b: {  	v15 =	vsel vm2, $0x3F800000, v7;
	v19 =	vmul.f32 v19, v20;
	v16 =	vsel vm0, $0x3F800000, v7;
	v20 =	vld.idx.msk [tilespmem:v25+s16+$0x0], $0xffff  }
0x14c: {  	v11 =	vadd.f32 v11, v8;
	v21 =	vmul.f32 v15, v21;
	v15 =	vsel vm1, $0x3F800000, v7;
	v17 =	vld.idx.msk [tilespmem:v17+s16+$0x0], $0xffff  }
.Ltmp7:
0x14d: {  	v25 =	vsub.f32 v13, v9;
	v13 =	vmul.f32 v15, v22;
	v15 =	vmul.f32 v16, v10;
	(pc) =	sbr.rel @p0 .LBB2_15-.Ltmp7, $4  }
0x14e: {  	v10 =	vadd.f32 $1.000000000e+00, v11;
	v11 =	vadd.f32 $0.0e+00, v18;
	v12 =	vmul.f32 v12, v21;
	v16 =	vld.idx.msk [tilespmem:v14+s16+$0x0], $0xffff  }
0x14f: {  	v19 =	vadd.f32 $0.0e+00, v19;
	v18 =	vadd.f32 $1.000000000e+00, v25;
	v21 =	vmul.f32 v23, v21  }
0x150: {  	v10 =	vmul.f32 $1.195000000e+02, v10;
	v14 =	vadd.f32 v12, v11;
	v12 =	vmul.f32 v24, v15  }
0x151: {  	v11 =	vmul.f32 $1.195000000e+02, v18;
	v18 =	vadd.f32 v21, v19;
	v19 =	vmul.f32 v20, v13  }
0x152: {  	v8 =	vtrunc.f32 v10  }
0x153: {  	v9 =	vmul.f32 v17, v15;
	v29 =	vcvt.f32.s32 v8  }
0x154: {  	vm0 =	vlt.f32 v10, v8;
	v8 =	vadd.f32 v19, v18;
	v30 =	vtrunc.f32 v11  }
0x155: {  	v13 =	vmul.f32 v16, v13;
	v31 =	vsel vm0, $0xFFFFFFFF, v6;
	vm8 =	vlt.f32 v11, v30  }
0x156: {  	v32 =	vcvt.f32.s32 v30;
	v15 =	vadd.s32 v29, v31;
	v8 =	vadd.f32 v9, v8  }
0x157: {  	v33 =	vsel vm8, $0xFFFFFFFF, v6;
	v13 =	vadd.f32 v13, v14;
	v34 =	vadd.s32 $0xFFFFFF88, v15  }
0x158: {  	v35 =	vadd.s32 $0xFFFFFF89, v15;
	v9 =	vadd.s32 v32, v33;
	vm9 =	vgt.s32 v34, $0x0  }
0x159: {  	v37 =	vadd.s32 $0xFFFFFFBA, v9;
	vm1 =	vgt.s32 v35, $0x0;
	v36 =	vnsel vm9, $0x0, v34  }
0x15a: {  	vm10 =	vgt.s32 v37, $0x0;
	v39 =	vnsel vm1, $0x0, v35;
	v16 =	vmin.u32 v36, $0x63  }
0x15b: {  	v38 =	vnsel vm10, $0x0, v37;
	v19 =	vmin.u32 v39, $0x63;
	v16 =	vmul.u32 $0x64, v16  }
0x15c: {  	v15 =	vcvt.s32.f32 v15;
	v18 =	vmin.u32 v38, $0x63;
	v19 =	vmul.u32 $0x64, v19  }
0x15d: {  	v20 =	vcvt.s32.f32 v9;
	v9 =	vadd.s32 $0xFFFFFFBB, v9;
	v21 =	vadd.s32 v18, v16  }
0x15e: {  	v12 =	vadd.f32 v12, v13;
	vm11 =	vgt.s32 v9, $0x0;
	v18 =	vadd.s32 v18, v19  }
0x15f: {  	v42 =	vsub.f32 v10, v15;
	v41 =	vnsel vm11, $0x0, v9;
	v22 =	vadd.s32 $0x2710, v21  }
0x160: {  	[tilespmem:s2+$0x0] =	vst v8;
	v40 =	vsub.f32 v11, v20;
	v43 =	vmin.u32 v41, $0x63;
	v44 =	vadd.s32 $0x2710, v18  }
0x161: {  	vm12 =	vlt.u32 v34, $0x64;
	[tilespmem:s2+$0xFFFFF1F0] =	vst v12;
	v8 =	vadd.s32 v43, v16  }
0x162: {  	v46 =	vsub.f32 $1.000000000e+00, v42;
	v45 =	vsub.f32 $1.000000000e+00, v40;
	v47 =	vadd.s32 v43, v19;
	v50 =	vld.idx.msk [tilespmem:v21+s16+$0x0], $0xffff  }
0x163: {  	vm3 =	vlt.u32 v35, $0x64;
	vm13 =	vlt.u32 v37, $0x64;
	v23 =	vadd.s32 $0x2710, v8;
	v53 =	vld.idx.msk [tilespmem:v18+s16+$0x0], $0xffff  }
0x164: {  	vm2 =	vmand vm13, vm12;
	v49 =	vmul.f32 v46, v45;
	v51 =	vadd.s32 $0x2710, v47;
	v48 =	vld.idx.msk [tilespmem:v22+s16+$0x0], $0xffff  }
0x165: {  	vm14 =	vlt.u32 v9, $0x64;
	vm1 =	vmand vm13, vm3;
	v52 =	vsel vm2, $0x3F800000, v7;
	v20 =	vld.idx.msk [tilespmem:v44+s16+$0x0], $0xffff  }
0x166: {  	vm0 =	vmand vm14, vm12;
	v12 =	vmul.f32 v45, v42;
	v14 =	vmul.f32 v52, v49;
	v8 =	vld.idx.msk [tilespmem:v8+s16+$0x0], $0xffff  }
0x167: {  	v55 =	vsel vm1, $0x3F800000, v7;
	v54 =	vmul.f32 v42, v40;
	v16 =	vmul.f32 v46, v40;
	v13 =	vld.idx.msk [tilespmem:v47+s16+$0x0], $0xffff  }
0x168: {  	v58 =	vsel vm0, $0x3F800000, v7;
	v10 =	vmul.f32 v55, v12;
	v56 =	vld.idx.msk [tilespmem:v23+s16+$0x0], $0xffff;
	v57 =	vmul.f32 v50, v14  }
0x169: {  	vm15 =	vmand vm14, vm3;
	v59 =	vld.idx.msk [tilespmem:v51+s16+$0x0], $0xffff;
	v15 =	vmul.f32 v48, v14;
	v14 =	vmul.f32 v58, v16  }
0x16a: {  	v60 =	vmul.f32 v20, v10;
	v10 =	vmul.f32 v53, v10;
	v12 =	vadd.f32 $0.0e+00, v57  }
0x16b: {  	v61 =	vsel vm15, $0x3F800000, v7;
	v15 =	vadd.f32 $0.0e+00, v15  }
0x16c: {  	v9 =	vmul.f32 v61, v54;
	v8 =	vmul.f32 v8, v14;
	v10 =	vadd.f32 v10, v12  }
0x16d: {  	s17 =	sadd.s32 $0x1, s17;
	v11 =	vmul.f32 v56, v14;
	v15 =	vadd.f32 v60, v15  }
0x16e: {  	p0 =	sne.s32 s17, $0xF;
	v62 =	vmul.f32 v59, v9;
	v9 =	vmul.f32 v13, v9;
	v8 =	vadd.f32 v8, v10  }
.Ltmp8:
0x16f: {  	v11 =	vadd.f32 v11, v15;
	(pc) =	sbr.rel @p0 .LBB2_14-.Ltmp8, $4  }
0x170: {  	v8 =	vadd.f32 v9, v8  }
0x171: {  	s0 =	sadd.s32 $0x10, s0;
	v63 =	vadd.f32 v62, v11  }
0x172: {  	[tilespmem:s0+$0xFFFFF1F0] =	vst v8  }
0x173: {  	s15 =	sadd.s32 $0xF0, s15;
	[tilespmem:s0+$0x0] =	vst v63  }
0x174: {  	s0 =	simm.s32 $0xEB80;
	s2 =	rddreg [dreg:$0x10];
	s26 =	simm.s32 $0x2  }
0x175: {  	[spmem:s2] =	stream.linear.scatter [tilespmem:s0], [sflag:$0x2], $0xE10, $0x38;
	[tilespmem:$0x1B4A0] =	vst v63  }
0x176: {  	_ =	swait.ge [sflag:s26], $0xE10  }
0x177: {  	[sflag:s26] =	ssyncset.done $0x0  }
0x178: {  	s13 =	simm.s32 $0xF990;
	v0 =	vadd.f32 v2, v0;
	s28 =	rddreg [dreg:$0xf];
	[sflag:s26] =	ssyncadd.s32 $0xFFFFF1F0  }
0x179: {  	[spmem:s28] =	stream.linear.scatter [tilespmem:s13], [sflag:$0x2], $0xE10, $0x38;
	[tilespmem:$0x1B4A0] =	vst v63  }
0x17a: {  	v0 =	vadd.f32 $1.000000000e+00, v0;
	_ =	swait.ge [sflag:s26], $0xE10  }
0x17b: {  	[sflag:s26] =	ssyncset.done $0x0  }
0x17c: {  	v0 =	vmul.f32 $1.195000000e+02, v0;
	[sflag:s26] =	ssyncadd.s32 $0xFFFFF1F0  }
0x17d: {  	[bflag:$0x0] =	sbarrier.arrive $0xFFFF  }
0x17e: {  	(xrf0) =	vmin.scan.msk.f32 $0xffff, v0;
	_ =	sdelay $0x5  }
0x17f: {  	v0, _, _ =	vpop (xrf0)  }
0x180: {  	(v2sf) =	vpush v0, $0xF;
	_ =	sdelay $0xe  }
0x181: {  	s29 =	spop (v2sf)  }
0x182: {  	s3 =	scvt.f32.s32 s29;
	_ =	sdelay $0x1  }
0x183: {  	s4 =	scvt.s32.f32 s3;
	_ =	sdelay $0x1  }
0x184: {  	p0 =	slt.f32 s29, s4  }
0x185: {  	s2 =	simm.s32 $0x1  }
0x186: {  	s2 =	simm.s32 @!p0 $0x0  }
0x187: {  	s2 =	sxor.u32 $0xFFFFFFFF, s2  }
0x188: {  	s2 =	sadd.s32 s3, s2  }
0x189: {  	p0 =	sgt.s32 s2, $0x0  }
0x18a: {  	s2 =	simm.s32 @!p0 $0x0  }
0x18b: {  	s2 =	smin.u32 s2, $0xD8  }
0x18c: {  	s30 =	smul.u32 $0x3C0, s2;
	_ =	sdelay $0x1  }
0x18d: {  	s3 =	sshrl.u32 s30, $0x2  }
0x18e: {  	s11 =	simm.s32 $0x10800;
	s3 =	sadd.s32 s3, s10  }
0x18f: {  	[tilespmem:s11], [sflag:$0x2] =	stream.linear.gather [spmem:s3], $0x1680, $0x38;
	[tilespmem:$0x1B4A0] =	vst v63  }
0x190: {  	_ =	swait.ge [sflag:s26], $0x1680  }
0x191: {  	[sflag:s26] =	ssyncset.done $0x0  }
0x192: {  	s31 =	simm.s32 $0x11E80;
	s3 =	sadd.s32 $0xE100, s3;
	[sflag:s26] =	ssyncadd.s32 $0xFFFFE980  }
0x193: {  	[tilespmem:s31], [sflag:$0x2] =	stream.linear.gather [spmem:s3], $0x1680, $0x38;
	[tilespmem:$0x1B4A0] =	vst v63  }
0x194: {  	_ =	swait.ge [sflag:s26], $0x1680  }
0x195: {  	v3 =	vimm.s32 $0x0;
	[sflag:s26] =	ssyncset.done $0x0  }
0x196: {  	s12 =	simm.s32 $0x0;
	v4 =	vlaneseq.u32;
	v5 =	vimm.f32 $0.0e+00;
	s14 =	simm.s32 $0x0;
	v0 =	vmov s2;
	[sflag:s26] =	ssyncadd.s32 $0xFFFFE980  }
.LBB2_18:
0x197: {  	s0 =	sadd.s32 s9, s14  }
0x198: {  	s0 =	scvt.s32.f32 s0;
	_ =	sdelay $0x1  }
0x199: {  	s0 =	smul.f32 $8.368200620e-03, s0;
	_ =	sdelay $0x1  }
0x19a: {  	v6 =	vmov s0  }
0x19b: {  	v6 =	vadd.f32 $-1.000000000e+00, v6;
	_ =	sdelay $0x1  }
0x19c: {  	v6 =	vbroadcast v6, $0x0;
	_ =	sdelay $0x1  }
0x19d: {  	v7 =	vshrl.u32 v6, $0x10  }
0x19e: {  	v8 =	vor.u32 s12, v4;
	v7 =	vand.u32 $0x1, v7  }
0x19f: {  	v6 =	vadd.s32 v7, v6;
	v7 =	vcvt.s32.f32 v8  }
0x1a0: {  	v6 =	vadd.s32 $0x7FFF, v6  }
0x1a1: {  	v6 =	vand.u32 $0xFFFF0000, v6;
	v7 =	vmul.f32 $8.368200620e-03, v7  }
0x1a2: {  	v6 =	vadd.f32 v6, v2  }
0x1a3: {  	v7 =	vadd.f32 $-1.000000000e+00, v7  }
0x1a4: {  	v6 =	vadd.f32 $1.000000000e+00, v6  }
0x1a5: {  	v8 =	vshrl.u32 v7, $0x10  }
0x1a6: {  	v6 =	vmul.f32 $1.195000000e+02, v6;
	v8 =	vand.u32 $0x1, v8  }
0x1a7: {  	v7 =	vadd.s32 v8, v7  }
0x1a8: {  	v8 =	vtrunc.f32 v6;
	v7 =	vadd.s32 $0x7FFF, v7  }
0x1a9: {  	v9 =	vcvt.f32.s32 v8;
	vm0 =	vlt.f32 v6, v8;
	v7 =	vand.u32 $0xFFFF0000, v7  }
0x1aa: {  	v8 =	vsel vm0, $0xFFFFFFFF, v3;
	v7 =	vadd.f32 v7, v1  }
0x1ab: {  	v10 =	vadd.s32 v9, v8  }
0x1ac: {  	v8 =	vsub.s32 v10, v0;
	v7 =	vadd.f32 $1.000000000e+00, v7  }
0x1ad: {  	v9 =	vcvt.s32.f32 v10;
	vm0 =	vgt.s32 v8, $0x0  }
0x1ae: {  	v11 =	vadd.s32 $0x1, v10;
	v8 =	vnsel vm0, $0x0, v8;
	v13 =	vmul.f32 $1.195000000e+02, v7  }
0x1af: {  	v6 =	vsub.f32 v6, v9;
	v9 =	vsub.s32 v11, v0;
	v7 =	vmin.u32 v8, $0x17  }
0x1b0: {  	vm0 =	vgt.s32 v9, $0x0;
	v8 =	vmul.u32 $0xF0, v7;
	v7 =	vtrunc.f32 v13  }
0x1b1: {  	s31 =	simm.s32 $0x10;
	v9 =	vnsel vm0, $0x0, v9;
	v12 =	vcvt.f32.s32 v7;
	vm0 =	vlt.f32 v13, v7  }
0x1b2: {  	v15 =	vor.u32 s31, v4;
	vm1 =	vlt.u32 v10, $0xF0;
	v14 =	vsel vm0, $0xFFFFFFFF, v3  }
0x1b3: {  	v7 =	vmin.u32 v9, $0x17;
	v12 =	vadd.s32 v12, v14;
	v14 =	vcvt.s32.f32 v15  }
0x1b4: {  	v9 =	vmul.u32 $0xF0, v7;
	v7 =	vsub.f32 $1.000000000e+00, v6;
	vm0 =	vlt.u32 v11, $0xF0  }
0x1b5: {  	vm2 =	vgt.s32 v12, $0x0;
	v17 =	vadd.s32 $0x1, v12;
	v11 =	vmul.f32 $8.368200620e-03, v14  }
0x1b6: {  	v10 =	vnsel vm2, $0x0, v12;
	vm2 =	vlt.u32 v12, $0xF0;
	v14 =	vcvt.s32.f32 v12  }
0x1b7: {  	v15 =	vmin.u32 v10, $0xEF;
	vm3 =	vmand vm0, vm2;
	v16 =	vadd.f32 $-1.000000000e+00, v11  }
0x1b8: {  	vm2 =	vmand vm1, vm2;
	v10 =	vadd.s32 v8, v15;
	v12 =	vsel vm3, $0x3F800000, v5  }
0x1b9: {  	v11 =	vadd.s32 v9, v15;
	v19 =	vsub.f32 v13, v14;
	v15 =	vshrl.u32 v16, $0x10  }
0x1ba: {  	vm3 =	vgt.s32 v17, $0x0;
	v18 =	vadd.s32 $0x1680, v10;
	v13 =	vand.u32 $0x1, v15  }
0x1bb: {  	v14 =	vand.u32 $0x7F, v10;
	v21 =	vand.u32 $0x7F, v11;
	v13 =	vadd.s32 v13, v16  }
0x1bc: {  	v18 =	vand.u32 $0x7F80, v18;
	v20 =	vsub.f32 $1.000000000e+00, v19;
	v13 =	vadd.s32 $0x7FFF, v13  }
0x1bd: {  	v15 =	vor.u32 v14, v18;
	v14 =	vnsel vm3, $0x0, v17;
	v13 =	vand.u32 $0xFFFF0000, v13  }
0x1be: {  	vm3 =	vlt.u32 v17, $0xF0;
	v17 =	vmul.f32 v20, v7;
	v18 =	vadd.f32 v13, v1  }
0x1bf: {  	v24 =	vadd.s32 $0x1680, v11;
	v23 =	vmin.u32 v14, $0xEF;
	v14 =	vsel vm2, $0x3F800000, v5  }
0x1c0: {  	v16 =	vadd.s32 v8, v23;
	v14 =	vmul.f32 v17, v14;
	v17 =	vadd.f32 $1.000000000e+00, v18  }
0x1c1: {  	v22 =	vmul.f32 v19, v6;
	v24 =	vand.u32 $0x7F80, v24;
	v25 =	vadd.s32 $0x1680, v16  }
0x1c2: {  	v13 =	vmul.f32 v19, v7;
	v19 =	vand.u32 $0x7F, v16;
	v17 =	vmul.f32 $1.195000000e+02, v17  }
0x1c3: {  	v18 =	vadd.s32 v9, v23;
	v23 =	vmul.f32 v20, v6;
	v20 =	vand.u32 $0x7F80, v25  }
0x1c4: {  	v26 =	vadd.s32 $0x1680, v18;
	v19 =	vor.u32 v19, v20;
	v25 =	vtrunc.f32 v17  }
0x1c5: {  	v20 =	vand.u32 $0x7F80, v26;
	v26 =	vcvt.f32.s32 v25;
	vm2 =	vlt.f32 v17, v25  }
0x1c6: {  	v21 =	vor.u32 v21, v24;
	vm4 =	vmand vm0, vm3;
	v25 =	vsel vm2, $0xFFFFFFFF, v3  }
0x1c7: {  	s3 =	simm.s32 $0x20;
	s2 =	smov.u32 s13;
	s0 =	smov.u32 s13;
	vm2 =	vmand vm1, vm3;
	v24 =	vadd.s32 v26, v25;
	v25 =	vsel vm4, $0x3F800000, v5  }
.LBB2_19:
0x1c8: {  	p0 =	sne.s32 s3, $0xE0  }
0x1c9: {  	vm3 =	vgt.s32 v24, $0x0;
	v25 =	vmul.f32 v25, v22;
	v22 =	vand.u32 $0x7F, v18;
	s0 =	sadd.s32 $0x10, s0;
	s4 =	smov.u32 s3;
	s3 =	sadd.s32 $0x10, s3  }
0x1ca: {  	vm4 =	vlt.u32 v24, $0xF0;
	v23 =	vmul.f32 v23, v12;
	v26 =	vnsel vm3, $0x0, v24;
	v27 =	vld.idx.msk [tilespmem:v15+s11+$0x0], $0xffff  }
0x1cb: {  	v28 =	vcvt.s32.f32 v24;
	vm5 =	vmand vm0, vm4;
	v15 =	vmin.u32 v26, $0xEF;
	v18 =	vld.idx.msk [tilespmem:v18+s11+$0x0], $0xffff  }
0x1cc: {  	v24 =	vadd.s32 $0x1, v24;
	vm3 =	vmand vm1, vm4;
	v26 =	vld.idx.msk [tilespmem:v10+s11+$0x0], $0xffff;
	v10 =	vadd.s32 v8, v15  }
0x1cd: {  	v12 =	vsel vm5, $0x3F800000, v5;
	v29 =	vadd.s32 $0x1680, v10;
	v30 =	vld.idx.msk [tilespmem:v11+s11+$0x0], $0xffff;
	v11 =	vadd.s32 v9, v15  }
0x1ce: {  	v31 =	vsel vm2, $0x3F800000, v5;
	v15 =	vor.u32 s4, v4;
	v29 =	vand.u32 $0x7F80, v29;
	v32 =	vld.idx.msk [tilespmem:v16+s11+$0x0], $0xffff  }
0x1cf: {  	v31 =	vmul.f32 v31, v13;
	v16 =	vcvt.s32.f32 v15;
	v15 =	vand.u32 $0x7F, v10;
	v19 =	vld.idx.msk [tilespmem:v19+s11+$0x0], $0xffff  }
0x1d0: {  	vm2 =	vgt.s32 v24, $0x0;
	v15 =	vor.u32 v15, v29;
	v27 =	vmul.f32 v27, v14  }
0x1d1: {  	v20 =	vor.u32 v22, v20;
	v29 =	vand.u32 $0x7F, v11;
	v13 =	vmul.f32 $8.368200620e-03, v16  }
0x1d2: {  	v17 =	vsub.f32 v17, v28;
	v16 =	vnsel vm2, $0x0, v24;
	v14 =	vmul.f32 v26, v14;
	v21 =	vld.idx.msk [tilespmem:v21+s11+$0x0], $0xffff  }
0x1d3: {  	vm2 =	vlt.u32 v24, $0xF0;
	v22 =	vadd.f32 $-1.000000000e+00, v13;
	v24 =	vmul.f32 v30, v23  }
0x1d4: {  	v28 =	vmul.f32 v18, v25;
	v26 =	vmin.u32 v16, $0xEF;
	v13 =	vmul.f32 v17, v7  }
0x1d5: {  	v30 =	vsub.f32 $1.000000000e+00, v17;
	v16 =	vshrl.u32 v22, $0x10;
	v19 =	vmul.f32 v19, v31  }
0x1d6: {  	v27 =	vadd.f32 $0.0e+00, v27;
	v18 =	vand.u32 $0x1, v16;
	v16 =	vadd.s32 v8, v26;
	v20 =	vld.idx.msk [tilespmem:v20+s11+$0x0], $0xffff  }
0x1d7: {  	v33 =	vadd.f32 $0.0e+00, v14;
	v18 =	vadd.s32 v18, v22;
	v22 =	vmul.f32 v30, v7  }
0x1d8: {  	v14 =	vadd.s32 $0x7FFF, v18;
	v18 =	vsel vm3, $0x3F800000, v5;
	v21 =	vmul.f32 v21, v23  }
0x1d9: {  	v24 =	vadd.f32 v24, v33;
	v23 =	vand.u32 $0xFFFF0000, v14;
	v14 =	vmul.f32 v22, v18  }
0x1da: {  	v22 =	vmul.f32 v17, v6;
	v17 =	vmul.f32 v32, v31;
	v23 =	vadd.f32 v23, v1  }
0x1db: {  	v31 =	vadd.s32 $0x1680, v11;
	v18 =	vadd.s32 v9, v26;
	v21 =	vadd.f32 v21, v27  }
0x1dc: {  	v24 =	vadd.f32 v17, v24;
	v23 =	vadd.f32 $1.000000000e+00, v23;
	v20 =	vmul.f32 v20, v25  }
0x1dd: {  	v26 =	vadd.s32 $0x1680, v18;
	v25 =	vand.u32 $0x7F, v16;
	v19 =	vadd.f32 v19, v21  }
0x1de: {  	v21 =	vadd.s32 $0x1680, v16;
	v24 =	vadd.f32 v28, v24;
	v17 =	vmul.f32 $1.195000000e+02, v23  }
.Ltmp9:
0x1df: {  	v21 =	vand.u32 $0x7F80, v21;
	v23 =	vmul.f32 v30, v6;
	v27 =	vadd.f32 v20, v19;
	(pc) =	sbr.rel @p0 .LBB2_19-.Ltmp9, $4  }
0x1e0: {  	v19 =	vor.u32 v25, v21;
	v20 =	vand.u32 $0x7F80, v26;
	v28 =	vtrunc.f32 v17;
	[tilespmem:s2+$0xFFFFF1F0] =	vst v24  }
0x1e1: {  	v21 =	vand.u32 $0x7F80, v31;
	v24 =	vcvt.f32.s32 v28;
	vm3 =	vlt.f32 v17, v28;
	[tilespmem:s2+$0x0] =	vst v27;
	s2 =	smov.u32 s0  }
0x1e2: {  	v21 =	vor.u32 v29, v21;
	v25 =	vsel vm3, $0xFFFFFFFF, v3;
	vm3 =	vmand vm0, vm2  }
0x1e3: {  	vm2 =	vmand vm1, vm2;
	v24 =	vadd.s32 v24, v25;
	v25 =	vsel vm3, $0x3F800000, v5  }
0x1e4: {  	_ =	sdelay $0x3  }
0x1e5: {  	v10 =	vld.idx.msk [tilespmem:v10+s11+$0x0], $0xffff  }
0x1e6: {  	vm3 =	vgt.s32 v24, $0x0;
	v26 =	vand.u32 $0x7F, v18;
	v15 =	vld.idx.msk [tilespmem:v15+s11+$0x0], $0xffff;
	v22 =	vmul.f32 v25, v22  }
0x1e7: {  	v11 =	vld.idx.msk [tilespmem:v11+s11+$0x0], $0xffff;
	vm10 =	vlt.u32 v24, $0xF0;
	v12 =	vmul.f32 v23, v12;
	v20 =	vor.u32 v26, v20  }
0x1e8: {  	v21 =	vld.idx.msk [tilespmem:v21+s11+$0x0], $0xffff;
	v32 =	vcvt.s32.f32 v24;
	v33 =	vadd.s32 $0x1, v24;
	v28 =	vsel vm2, $0x3F800000, v5  }
0x1e9: {  	v16 =	vld.idx.msk [tilespmem:v16+s11+$0x0], $0xffff;
	v27 =	vnsel vm3, $0x0, v24;
	v13 =	vmul.f32 v28, v13;
	vm11 =	vgt.s32 v33, $0x0  }
0x1ea: {  	v19 =	vld.idx.msk [tilespmem:v19+s11+$0x0], $0xffff;
	v62 =	vmin.u32 v27, $0xEF;
	v41 =	vsub.f32 v17, v32;
	v10 =	vmul.f32 v10, v14  }
0x1eb: {  	v35 =	vld.idx.msk [tilespmem:v18+s11+$0x0], $0xffff;
	v43 =	vnsel vm11, $0x0, v33;
	v63 =	vadd.s32 v8, v62;
	v36 =	vmul.f32 v15, v14  }
0x1ec: {  	v25 =	vadd.s32 v9, v62;
	v11 =	vmul.f32 v11, v12;
	v37 =	vld.idx.msk [tilespmem:v20+s11+$0x0], $0xffff;
	v10 =	vadd.f32 $0.0e+00, v10  }
0x1ed: {  	v34 =	vadd.s32 $0x1680, v63;
	v12 =	vmul.f32 v21, v12;
	v14 =	vadd.f32 $0.0e+00, v36  }
0x1ee: {  	v29 =	vand.u32 $0x7F, v63;
	v39 =	vmul.f32 v16, v13;
	v10 =	vadd.f32 v11, v10  }
0x1ef: {  	v40 =	vand.u32 $0x7F, v25;
	v13 =	vmul.f32 v19, v13;
	v12 =	vadd.f32 v12, v14  }
0x1f0: {  	v44 =	vadd.s32 $0x1680, v25;
	v42 =	vmul.f32 v35, v22;
	v10 =	vadd.f32 v39, v10  }
0x1f1: {  	v27 =	vand.u32 $0x7F80, v34;
	v15 =	vmul.f32 v37, v22;
	v12 =	vadd.f32 v13, v12  }
0x1f2: {  	v38 =	vor.u32 v29, v27;
	v11 =	vmin.u32 v43, $0xEF;
	v10 =	vadd.f32 v42, v10  }
0x1f3: {  	v45 =	vadd.s32 v8, v11;
	v13 =	vand.u32 $0x7F80, v44;
	v12 =	vadd.f32 v15, v12  }
0x1f4: {  	v46 =	vsub.f32 $1.000000000e+00, v41;
	v47 =	vadd.s32 $0x1680, v45;
	v48 =	vor.u32 v40, v13;
	[tilespmem:s2+$0xFFFFF1F0] =	vst v10  }
0x1f5: {  	v49 =	vadd.s32 v9, v11;
	v50 =	vand.u32 $0x7F, v45;
	v51 =	vand.u32 $0x7F80, v47;
	[tilespmem:s2+$0x0] =	vst v12  }
0x1f6: {  	vm12 =	vmand vm1, vm10;
	v52 =	vadd.s32 $0x1680, v49;
	v11 =	vor.u32 v50, v51;
	v53 =	vld.idx.msk [tilespmem:v63+s11+$0x0], $0xffff  }
0x1f7: {  	v54 =	vmul.f32 v46, v7;
	v55 =	vand.u32 $0x7F, v49;
	v12 =	vand.u32 $0x7F80, v52;
	v56 =	vld.idx.msk [tilespmem:v38+s11+$0x0], $0xffff  }
0x1f8: {  	vm3 =	vmand vm0, vm10;
	v57 =	vsel vm12, $0x3F800000, v5;
	v58 =	vld.idx.msk [tilespmem:v25+s11+$0x0], $0xffff;
	v12 =	vor.u32 v55, v12  }
0x1f9: {  	vm13 =	vlt.u32 v33, $0xF0;
	v16 =	vmul.f32 v54, v57;
	v15 =	vmul.f32 v46, v6;
	v10 =	vld.idx.msk [tilespmem:v48+s11+$0x0], $0xffff  }
0x1fa: {  	v59 =	vsel vm3, $0x3F800000, v5;
	vm14 =	vmand vm1, vm13;
	v7 =	vmul.f32 v41, v7;
	v8 =	vld.idx.msk [tilespmem:v45+s11+$0x0], $0xffff  }
0x1fb: {  	v61 =	vsel vm14, $0x3F800000, v5;
	v60 =	vmul.f32 v15, v59;
	v11 =	vld.idx.msk [tilespmem:v11+s11+$0x0], $0xffff;
	v13 =	vmul.f32 v53, v16  }
0x1fc: {  	vm15 =	vmand vm0, vm13;
	v7 =	vmul.f32 v61, v7;
	v9 =	vld.idx.msk [tilespmem:v49+s11+$0x0], $0xffff;
	v16 =	vmul.f32 v56, v16  }
0x1fd: {  	v6 =	vmul.f32 v41, v6;
	v62 =	vmul.f32 v58, v60;
	v12 =	vld.idx.msk [tilespmem:v12+s11+$0x0], $0xffff;
	v13 =	vadd.f32 $0.0e+00, v13  }
0x1fe: {  	v63 =	vsel vm15, $0x3F800000, v5;
	v10 =	vmul.f32 v10, v60;
	v16 =	vadd.f32 $0.0e+00, v16  }
0x1ff: {  	v6 =	vmul.f32 v63, v6;
	v8 =	vmul.f32 v8, v7;
	v13 =	vadd.f32 v62, v13  }
0x200: {  	s14 =	sadd.s32 $0x1, s14;
	v7 =	vmul.f32 v11, v7;
	v10 =	vadd.f32 v10, v16  }
0x201: {  	p0 =	sne.s32 s14, $0xF;
	v9 =	vmul.f32 v9, v6;
	v8 =	vadd.f32 v8, v13  }
.Ltmp10:
0x202: {  	v6 =	vmul.f32 v12, v6;
	v7 =	vadd.f32 v7, v10;
	(pc) =	sbr.rel @p0 .LBB2_18-.Ltmp10, $4  }
0x203: {  	v8 =	vadd.f32 v9, v8  }
0x204: {  	s0 =	sadd.s32 $0x10, s0;
	v6 =	vadd.f32 v6, v7  }
0x205: {  	[tilespmem:s0+$0xFFFFF1F0] =	vst v8  }
0x206: {  	s13 =	sadd.s32 $0xF0, s13;
	[tilespmem:s0+$0x0] =	vst v6  }
0x207: {  	s0 =	simm.s32 $0x0  }
0x208: {  	s2 =	simm.s32 $0x13500;
	s3 =	rddreg [dreg:$0xe];
	s31 =	simm.s32 $0x2  }
0x209: {  	[tilespmem:s2], [sflag:$0x2] =	stream.linear.gather [hbm4b:s3+s0], $0xE10, $0x38;
	[tilespmem:$0x1B4A0] =	vst v63  }
0x20a: {  	_ =	swait.ge [sflag:s31], $0xE10  }
0x20b: {  	[sflag:s31] =	ssyncset.done $0x0  }
0x20c: {  	s0 =	simm.s32 $0x0;
	[sflag:s31] =	ssyncadd.s32 $0xFFFFF1F0  }
0x20d: {  	s2 =	simm.s32 $0x40;
	v0 =	vld [tilespmem:s0+$0x13500]  }
.LBB2_22:
0x20e: {  	p0 =	sne.s32 s2, $0x3800;
	v1 =	vld [tilespmem:s0+$0xEB80];
	_ =	sdelay $0x1  }
.Ltmp11:
0x20f: {  	(pc) =	sbr.rel @p0 .LBB2_22-.Ltmp11, $3  }
0x210: {  	_ =	sdelay $0x1  }
0x211: {  	s3 =	sshra.s32 s2, $0x2;
	v1 =	vmax.f32 v1, v0  }
0x212: {  	s2 =	sadd.s32 $0x40, s2;
	v0 =	vld [tilespmem:s3+$0x13500];
	[tilespmem:s0+$0xEB80] =	vst v1;
	s0 =	smov.u32 s3  }
0x213: {  	v1 =	vld [tilespmem:s0+$0xEB80];
	_ =	sdelay $0x4  }
0x214: {  	s29 =	simm.s32 $0x0;
	v0 =	vmax.f32 v1, v0  }
0x215: {  	s2 =	simm.s32 $0xEB80;
	s3 =	rddreg [dreg:$0xd];
	s30 =	simm.s32 $0x2;
	[tilespmem:s0+$0xEB80] =	vst v0  }
0x216: {  	[hbm4b:s3+s29] =	stream.linear.scatter [tilespmem:s2], [sflag:$0x2], $0xE10, $0x38;
	[tilespmem:$0x1B4A0] =	vst v63  }
0x217: {  	_ =	swait.ge [sflag:s30], $0xE10  }
0x218: {  	[sflag:s30] =	ssyncset.done $0x0  }
0x219: {  	s31 =	simm.s32 $0x13500;
	s4 =	rddreg [dreg:$0xc];
	[sflag:s30] =	ssyncadd.s32 $0xFFFFF1F0  }
0x21a: {  	[tilespmem:s31], [sflag:$0x2] =	stream.linear.gather [hbm4b:s4+s29], $0xE10, $0x38;
	[tilespmem:$0x1B4A0] =	vst v63  }
0x21b: {  	_ =	swait.ge [sflag:s30], $0xE10  }
0x21c: {  	[sflag:s30] =	ssyncset.done $0x0  }
0x21d: {  	s0 =	simm.s32 $0x0;
	[sflag:s30] =	ssyncadd.s32 $0xFFFFF1F0  }
0x21e: {  	s2 =	simm.s32 $0x40;
	v0 =	vld [tilespmem:s0+$0x13500]  }
.LBB2_24:
0x21f: {  	p0 =	sne.s32 s2, $0x3800;
	v1 =	vld [tilespmem:s0+$0xF990];
	_ =	sdelay $0x1  }
.Ltmp12:
0x220: {  	(pc) =	sbr.rel @p0 .LBB2_24-.Ltmp12, $3  }
0x221: {  	_ =	sdelay $0x1  }
0x222: {  	s3 =	sshra.s32 s2, $0x2;
	v1 =	vmax.f32 v1, v0  }
0x223: {  	s2 =	sadd.s32 $0x40, s2;
	v0 =	vld [tilespmem:s3+$0x13500];
	[tilespmem:s0+$0xF990] =	vst v1;
	s0 =	smov.u32 s3  }
0x224: {  	v1 =	vld [tilespmem:s0+$0xF990];
	_ =	sdelay $0x4  }
0x225: {  	s25 =	simm.s32 $0x0;
	v0 =	vmax.f32 v1, v0  }
0x226: {  	s2 =	simm.s32 $0xF990;
	s3 =	rddreg [dreg:$0xb];
	s26 =	simm.s32 $0x2;
	[tilespmem:s0+$0xF990] =	vst v0  }
0x227: {  	[hbm4b:s3+s25] =	stream.linear.scatter [tilespmem:s2], [sflag:$0x2], $0xE10, $0x38;
	[tilespmem:$0x1B4A0] =	vst v63  }
0x228: {  	_ =	swait.ge [sflag:s26], $0xE10  }
0x229: {  	[sflag:s26] =	ssyncset.done $0x0  }
0x22a: {  	s28 =	simm.s32 $0x13500;
	s4 =	rddreg [dreg:$0xa];
	[sflag:s26] =	ssyncadd.s32 $0xFFFFF1F0  }
0x22b: {  	[tilespmem:s28], [sflag:$0x2] =	stream.linear.gather [hbm4b:s4+s25], $0xE10, $0x38;
	[tilespmem:$0x1B4A0] =	vst v63  }
0x22c: {  	_ =	swait.ge [sflag:s26], $0xE10  }
0x22d: {  	[sflag:s26] =	ssyncset.done $0x0  }
0x22e: {  	s29 =	rddreg [dreg:$0x8];
	[sflag:s26] =	ssyncadd.s32 $0xFFFFF1F0  }
0x22f: {  	[hbm4b:s29+s25] =	stream.linear.scatter [tilespmem:s28], [sflag:$0x2], $0xE10, $0x38;
	[tilespmem:$0x1B4A0] =	vst v63  }
0x230: {  	_ =	swait.ge [sflag:s26], $0xE10  }
0x231: {  	[sflag:s26] =	ssyncset.done $0x0  }
0x232: {  	s30 =	rddreg [dreg:$0x9];
	[sflag:s26] =	ssyncadd.s32 $0xFFFFF1F0  }
0x233: {  	[tilespmem:s28], [sflag:$0x2] =	stream.linear.gather [hbm4b:s30+s25], $0xE10, $0x38;
	[tilespmem:$0x1B4A0] =	vst v63  }
0x234: {  	_ =	swait.ge [sflag:s26], $0xE10  }
0x235: {  	[sflag:s26] =	ssyncset.done $0x0  }
0x236: {  	s31 =	rddreg [dreg:$0x7];
	[sflag:s26] =	ssyncadd.s32 $0xFFFFF1F0  }
0x237: {  	[hbm4b:s31+s25] =	stream.linear.scatter [tilespmem:s28], [sflag:$0x2], $0xE10, $0x38;
	[tilespmem:$0x1B4A0] =	vst v63  }
0x238: {  	_ =	swait.ge [sflag:s26], $0xE10  }
0x239: {  	[sflag:s26] =	ssyncset.done $0x0  }
0x23a: {  	[sflag:s26] =	ssyncadd.s32 $0xFFFFF1F0  }
.LBB2_26:
0x23b: {  	_ =	sfence.sel $0x180000  }
0x23c: {  	[bflag:$0x0] =	sbarrier.arrive $0xFFFF  }
0x23d: {  	p0 =	sne.s32 s1, $0x0;
	_ =	strace $0x90000047  }
0x23e: {  	s0 =	sadd.s32 @!p0 $0x100000, s5;
	[bflag:$0x2] =	sbarrier.arrive $0xFFFF  }
0x23f: {  	[sflag:s0] =	ssyncadd.tile.s32 @!p0 $0x1;
	_ =	shalt  }
.Lfunc_end2:
_tile_overlayer_lowered:
.L_overlay_start_2:
0x240: {  	(tag) =	ssettag $0x2  }
0x241: {  	s0 =	rddreg [dreg:$0x0];
	s2 =	stileid.u32  }
0x242: {  	s1 =	rddreg [dreg:$0x1];
	p0 =	sne.s32 s2, $0x0  }
0x243: {  	s3 =	rddreg [dreg:$0x2];
	[bflag:$0x3] =	sbarrier.arrive $0xFFFF;
	s2 =	simm.s32 @!p0 $0x1C02  }
0x244: {  	[timem:s3], [sflag:s2] =	dma.local @!p0 [hbm:s0], s1  }
0x245: {  	s0 =	simm.s32 @!p0 $0x2  }
0x246: {  	_ =	swait.ge @!p0 [sflag:s0], s1  }
0x247: {  	s1 =	ssub.s32 @!p0 $0x0, s1;
	[sflag:s0] =	ssyncset.done @!p0 $0x0  }
0x248: {  	[sflag:s0] =	ssyncadd.s32 @!p0 s1  }
0x249: {  	[bflag:$0x3] =	sbarrier.arrive $0xFFFF  }
0x24a: {  	_ =	shalt  }

</sc_bundles>
